<compile_context>
chip_gen: v7x
topology: tpu7x:2x2x1
jax: 0.10.2.dev20260603
libtpu: 0.0.44.dev20260713+nightly
codegen_flags: <defaults>
</compile_context>

<pallas_src>
import functools

import jax
import jax.numpy as jnp
from jax import lax
from jax.experimental import pallas as pl
from jax.experimental.pallas import tpu as pltpu
from jax.experimental.pallas import tpu_sc as plsc

N_HID = 128
MAX_LEN = 240
LANES = 16
CHUNK = 128
NSLOT = 6


def _proj_table_body(emb_ref, w_ref, b_ref, out_ref):
    p = lax.dot_general(
        emb_ref[...], w_ref[...],
        dimension_numbers=(((1,), (1,)), ((), ())),
        preferred_element_type=jnp.float32,
    )
    out_ref[...] = p + b_ref[...]


@functools.cache
def _make_sc_kernel(n_rows):
    n_chunks = n_rows // CHUNK
    info = plsc.get_sparse_core_info()
    nc, ns = info.num_cores, info.num_subcores
    nw = nc * ns

    mesh = plsc.VectorSubcoreMesh(core_axis_name="c", subcore_axis_name="s")

    @functools.partial(
        pl.kernel,
        mesh=mesh,
        out_type=jax.ShapeDtypeStruct((n_rows, N_HID), jnp.float32),
        scratch_types=(
            [pltpu.VMEM((CHUNK,), jnp.int32) for _ in range(NSLOT)]
            + [pltpu.VMEM((CHUNK, N_HID), jnp.float32)
               for _ in range(NSLOT)]
            + [pltpu.VMEM_SHARED((MAX_LEN, N_HID), jnp.float32)]
            + [pltpu.SemaphoreType.DMA for _ in range(4 * NSLOT)]
        ),
    )
    def sc_fn(x_hbm, t_hbm, p_hbm, out_hbm, *scratch):
        iv = scratch[0:NSLOT]
        xv = scratch[NSLOT:2 * NSLOT]
        p_sh = scratch[2 * NSLOT]
        si = scratch[2 * NSLOT + 1:2 * NSLOT + 1 + NSLOT]
        sx = scratch[2 * NSLOT + 1 + NSLOT:2 * NSLOT + 1 + 2 * NSLOT]
        sg = scratch[2 * NSLOT + 1 + 2 * NSLOT:2 * NSLOT + 1 + 3 * NSLOT]
        so = scratch[2 * NSLOT + 1 + 3 * NSLOT:2 * NSLOT + 1 + 4 * NSLOT]

        wid = lax.axis_index("s") * nc + lax.axis_index("c")

        def valid(m):
            return wid + m * nw < n_chunks

        def row_base(m):
            return (wid + m * nw) * CHUNK

        def issue_idx(m, s):
            @pl.when(valid(m))
            def _():
                pltpu.async_copy(
                    t_hbm.at[pl.ds(row_base(m), CHUNK)], iv[s], si[s])

        def issue_x(m, s):
            @pl.when(valid(m))
            def _():
                @pl.when(m >= NSLOT)
                def _():
                    pltpu.make_async_copy(
                        xv[s], out_hbm.at[pl.ds(0, CHUNK)], so[s]).wait()

                pltpu.async_copy(
                    x_hbm.at[pl.ds(row_base(m), CHUNK)], xv[s], sx[s])

        def issue_gadd(m, s):
            @pl.when(valid(m))
            def _():
                pltpu.make_async_copy(
                    t_hbm.at[pl.ds(row_base(m), CHUNK)], iv[s], si[s]).wait()
                pltpu.make_async_copy(
                    x_hbm.at[pl.ds(row_base(m), CHUNK)], xv[s], sx[s]).wait()
                pltpu.async_copy(p_sh.at[iv[s]], xv[s], sg[s], add=True)

        def finish(m, s):
            @pl.when(valid(m))
            def _():
                pltpu.make_async_copy(
                    p_sh.at[iv[s]], xv[s], sg[s]).wait()
                pltpu.async_copy(
                    xv[s], out_hbm.at[pl.ds(row_base(m), CHUNK)], so[s])

        for mm in range(NSLOT):
            issue_idx(mm, mm)
        issue_x(0, 0)
        issue_x(1, 1)
        issue_x(2, 2)

        @pl.when(lax.axis_index("s") == 0)
        def _():
            pltpu.sync_copy(p_hbm, p_sh)
        plsc.subcore_barrier()

        issue_gadd(0, 0)

        def body(g, carry):
            for dm in range(NSLOT):
                m = g * NSLOT + dm
                issue_gadd(m + 1, (dm + 1) % NSLOT)
                finish(m, dm % NSLOT)
                issue_x(m + 3, (dm + 3) % NSLOT)
                issue_idx(m + NSLOT, dm % NSLOT)
            return carry

        per_w_max = -(-n_chunks // nw)
        lax.fori_loop(0, (per_w_max + NSLOT - 1) // NSLOT, body, 0)

        for s in range(NSLOT):
            pltpu.make_async_copy(
                xv[s], out_hbm.at[pl.ds(0, CHUNK)], so[s]).wait()

    return sc_fn


def kernel(x, t, emb_table, W, b):
    p_table = pl.pallas_call(
        _proj_table_body,
        out_shape=jax.ShapeDtypeStruct((MAX_LEN, N_HID), jnp.float32),
    )(emb_table, W, b.reshape(1, N_HID))
    return _make_sc_kernel(x.shape[0])(x, t, p_table)

# --- scband reference (transcript-rebuilt; emitter-appended) ---
"""Pipeline reference for scband-rel-temporal-encoding-16741782520629 (READ-ONLY COPY).

The authoritative reference and input builder live on the scoring server;
editing this copy changes nothing except your own understanding.
"""

import jax, jax.numpy as jnp
import numpy as np
import math

N = 320000
N_HID = 128
MAX_LEN = 240

def _make_emb_table():
    position = np.arange(0.0, MAX_LEN)[:, None]
    div_term = np.exp(np.arange(0, N_HID, 2) * -(math.log(10000.0) / N_HID))
    emb = np.zeros((MAX_LEN, N_HID), dtype=np.float32)
    emb[:, 0::2] = np.sin(position * div_term) / math.sqrt(N_HID)
    emb[:, 1::2] = np.cos(position * div_term) / math.sqrt(N_HID)
    return jnp.asarray(emb, dtype=jnp.float32)

def setup_inputs(seed: int = 0) -> dict:
    key = jax.random.key(seed)
    k1, k2, k3, k4 = jax.random.split(key, 4)
    x = jax.random.normal(k1, (N, N_HID), dtype=jnp.float32)
    t = jax.random.randint(k2, (N,), 0, MAX_LEN, dtype=jnp.int32)
    emb_table = _make_emb_table()
    bound = 1.0 / math.sqrt(N_HID)
    W = jax.random.uniform(k3, (N_HID, N_HID), dtype=jnp.float32, minval=-bound, maxval=bound)
    b = jax.random.uniform(k4, (N_HID,), dtype=jnp.float32, minval=-bound, maxval=bound)
    return {"x": x, "t": t, "emb_table": emb_table, "W": W, "b": b}

def reference(x, t, emb_table, W, b):
    # emb(t): embedding gather (SparseCore-friendly)
    e = jnp.take(emb_table, t, axis=0)
    # lin(emb(t)): y = e @ W^T + b  (torch nn.Linear convention)
    y = e @ W.T + b
    return x + y

if __name__ == "__main__":
    import jax
    _d = setup_inputs()
    print(jax.jit(kernel)(*tuple(_d.values())))

</pallas_src>

<mosaic_0001>
#map = affine_map<(d0, d1) -> (0, 0)>
#map1 = affine_map<(d0, d1) -> (0)>
module attributes {stable_mosaic.version = 14 : i64} {
  func.func @sc_fn(%arg0: i32, %arg1: i32, %arg2: memref<320000x128xf32, #tpu.memory_space<hbm>>, %arg3: memref<320000xi32, #tpu.memory_space<hbm>>, %arg4: memref<240x128xf32, #tpu.memory_space<hbm>>, %arg5: memref<320000x128xf32, #tpu.memory_space<hbm>>, %arg6: memref<128xi32, #tpu.memory_space<vmem>>, %arg7: memref<128xi32, #tpu.memory_space<vmem>>, %arg8: memref<128xi32, #tpu.memory_space<vmem>>, %arg9: memref<128xi32, #tpu.memory_space<vmem>>, %arg10: memref<128xi32, #tpu.memory_space<vmem>>, %arg11: memref<128xi32, #tpu.memory_space<vmem>>, %arg12: memref<128x128xf32, #tpu.memory_space<vmem>>, %arg13: memref<128x128xf32, #tpu.memory_space<vmem>>, %arg14: memref<128x128xf32, #tpu.memory_space<vmem>>, %arg15: memref<128x128xf32, #tpu.memory_space<vmem>>, %arg16: memref<128x128xf32, #tpu.memory_space<vmem>>, %arg17: memref<128x128xf32, #tpu.memory_space<vmem>>, %arg18: memref<240x128xf32, #tpu.memory_space<vmem_shared>>, %arg19: memref<!tpu.dma_semaphore, #tpu.memory_space<semaphore_mem>>, %arg20: memref<!tpu.dma_semaphore, #tpu.memory_space<semaphore_mem>>, %arg21: memref<!tpu.dma_semaphore, #tpu.memory_space<semaphore_mem>>, %arg22: memref<!tpu.dma_semaphore, #tpu.memory_space<semaphore_mem>>, %arg23: memref<!tpu.dma_semaphore, #tpu.memory_space<semaphore_mem>>, %arg24: memref<!tpu.dma_semaphore, #tpu.memory_space<semaphore_mem>>, %arg25: memref<!tpu.dma_semaphore, #tpu.memory_space<semaphore_mem>>, %arg26: memref<!tpu.dma_semaphore, #tpu.memory_space<semaphore_mem>>, %arg27: memref<!tpu.dma_semaphore, #tpu.memory_space<semaphore_mem>>, %arg28: memref<!tpu.dma_semaphore, #tpu.memory_space<semaphore_mem>>, %arg29: memref<!tpu.dma_semaphore, #tpu.memory_space<semaphore_mem>>, %arg30: memref<!tpu.dma_semaphore, #tpu.memory_space<semaphore_mem>>, %arg31: memref<!tpu.dma_semaphore, #tpu.memory_space<semaphore_mem>>, %arg32: memref<!tpu.dma_semaphore, #tpu.memory_space<semaphore_mem>>, %arg33: memref<!tpu.dma_semaphore, #tpu.memory_space<semaphore_mem>>, %arg34: memref<!tpu.dma_semaphore, #tpu.memory_space<semaphore_mem>>, %arg35: memref<!tpu.dma_semaphore, #tpu.memory_space<semaphore_mem>>, %arg36: memref<!tpu.dma_semaphore, #tpu.memory_space<semaphore_mem>>, %arg37: memref<!tpu.dma_semaphore, #tpu.memory_space<semaphore_mem>>, %arg38: memref<!tpu.dma_semaphore, #tpu.memory_space<semaphore_mem>>, %arg39: memref<!tpu.dma_semaphore, #tpu.memory_space<semaphore_mem>>, %arg40: memref<!tpu.dma_semaphore, #tpu.memory_space<semaphore_mem>>, %arg41: memref<!tpu.dma_semaphore, #tpu.memory_space<semaphore_mem>>, %arg42: memref<!tpu.dma_semaphore, #tpu.memory_space<semaphore_mem>>) attributes {dimension_semantics = [#tpu.dimension_semantics<core_parallel>, #tpu.dimension_semantics<subcore_parallel>], iteration_bounds = array<i64: 2, 16>, scalar_prefetch = 0 : i64, scratch_operands = 37 : i64, tpu.core_type = #tpu.core_type<sc_vector_subcore>, window_params = [{transform_indices = #map}, {transform_indices = #map1}, {transform_indices = #map}, {transform_indices = #map}]} {
    %mul3A = arith.constant 2 : i32
    %mul3A_0 = arith.muli %arg1, %mul3A : i32
    %add3A = arith.addi %mul3A_0, %arg0 : i32
    %add3A_1 = arith.constant 0 : i32
    %add3A_2 = arith.addi %add3A, %add3A_1 : i32
    %lt3A = arith.constant 2500 : i32
    %lt3A_3 = arith.cmpi slt, %add3A_2, %lt3A : i32
    %convert_element_type3A = arith.extui %lt3A_3 : i1 to i32
    %cond3A = arith.constant 0 : i32
    %cond3A_4 = arith.cmpi ne, %convert_element_type3A, %cond3A : i32
    scf.if %cond3A_4 {
      %add3A_112 = arith.constant 0 : i32
      %add3A_113 = arith.addi %add3A, %add3A_112 : i32
      %mul3A_114 = arith.constant 128 : i32
      %mul3A_115 = arith.muli %add3A_113, %mul3A_114 : i32
      %dma_start3A = tpu.memref_slice %arg3[%mul3A_115] : memref<320000xi32, #tpu.memory_space<hbm>> -> memref<128xi32, #tpu.memory_space<hbm>>
      %dma_start3A_116 = tpu.memref_slice %arg3[%mul3A_115] : memref<320000xi32, #tpu.memory_space<hbm>> -> memref<128xi32, #tpu.memory_space<hbm>>
      tpu.enqueue_dma source(%dma_start3A_116 : memref<128xi32, #tpu.memory_space<hbm>>) target(%arg6 : memref<128xi32, #tpu.memory_space<vmem>>) target_semaphore(%arg19 : memref<!tpu.dma_semaphore, #tpu.memory_space<semaphore_mem>>)
    } else {
    }
    %add3A_5 = arith.constant 32 : i32
    %add3A_6 = arith.addi %add3A, %add3A_5 : i32
    %lt3A_7 = arith.constant 2500 : i32
    %lt3A_8 = arith.cmpi slt, %add3A_6, %lt3A_7 : i32
    %convert_element_type3A_9 = arith.extui %lt3A_8 : i1 to i32
    %cond3A_10 = arith.constant 0 : i32
    %cond3A_11 = arith.cmpi ne, %convert_element_type3A_9, %cond3A_10 : i32
    scf.if %cond3A_11 {
      %add3A_112 = arith.constant 32 : i32
      %add3A_113 = arith.addi %add3A, %add3A_112 : i32
      %mul3A_114 = arith.constant 128 : i32
      %mul3A_115 = arith.muli %add3A_113, %mul3A_114 : i32
      %dma_start3A = tpu.memref_slice %arg3[%mul3A_115] : memref<320000xi32, #tpu.memory_space<hbm>> -> memref<128xi32, #tpu.memory_space<hbm>>
      %dma_start3A_116 = tpu.memref_slice %arg3[%mul3A_115] : memref<320000xi32, #tpu.memory_space<hbm>> -> memref<128xi32, #tpu.memory_space<hbm>>
      tpu.enqueue_dma source(%dma_start3A_116 : memref<128xi32, #tpu.memory_space<hbm>>) target(%arg7 : memref<128xi32, #tpu.memory_space<vmem>>) target_semaphore(%arg20 : memref<!tpu.dma_semaphore, #tpu.memory_space<semaphore_mem>>)
    } else {
    }
    %add3A_12 = arith.constant 64 : i32
    %add3A_13 = arith.addi %add3A, %add3A_12 : i32
    %lt3A_14 = arith.constant 2500 : i32
    %lt3A_15 = arith.cmpi slt, %add3A_13, %lt3A_14 : i32
    %convert_element_type3A_16 = arith.extui %lt3A_15 : i1 to i32
    %cond3A_17 = arith.constant 0 : i32
    %cond3A_18 = arith.cmpi ne, %convert_element_type3A_16, %cond3A_17 : i32
    scf.if %cond3A_18 {
      %add3A_112 = arith.constant 64 : i32
      %add3A_113 = arith.addi %add3A, %add3A_112 : i32
      %mul3A_114 = arith.constant 128 : i32
      %mul3A_115 = arith.muli %add3A_113, %mul3A_114 : i32
      %dma_start3A = tpu.memref_slice %arg3[%mul3A_115] : memref<320000xi32, #tpu.memory_space<hbm>> -> memref<128xi32, #tpu.memory_space<hbm>>
      %dma_start3A_116 = tpu.memref_slice %arg3[%mul3A_115] : memref<320000xi32, #tpu.memory_space<hbm>> -> memref<128xi32, #tpu.memory_space<hbm>>
      tpu.enqueue_dma source(%dma_start3A_116 : memref<128xi32, #tpu.memory_space<hbm>>) target(%arg8 : memref<128xi32, #tpu.memory_space<vmem>>) target_semaphore(%arg21 : memref<!tpu.dma_semaphore, #tpu.memory_space<semaphore_mem>>)
    } else {
    }
    %add3A_19 = arith.constant 96 : i32
    %add3A_20 = arith.addi %add3A, %add3A_19 : i32
    %lt3A_21 = arith.constant 2500 : i32
    %lt3A_22 = arith.cmpi slt, %add3A_20, %lt3A_21 : i32
    %convert_element_type3A_23 = arith.extui %lt3A_22 : i1 to i32
    %cond3A_24 = arith.constant 0 : i32
    %cond3A_25 = arith.cmpi ne, %convert_element_type3A_23, %cond3A_24 : i32
    scf.if %cond3A_25 {
      %add3A_112 = arith.constant 96 : i32
      %add3A_113 = arith.addi %add3A, %add3A_112 : i32
      %mul3A_114 = arith.constant 128 : i32
      %mul3A_115 = arith.muli %add3A_113, %mul3A_114 : i32
      %dma_start3A = tpu.memref_slice %arg3[%mul3A_115] : memref<320000xi32, #tpu.memory_space<hbm>> -> memref<128xi32, #tpu.memory_space<hbm>>
      %dma_start3A_116 = tpu.memref_slice %arg3[%mul3A_115] : memref<320000xi32, #tpu.memory_space<hbm>> -> memref<128xi32, #tpu.memory_space<hbm>>
      tpu.enqueue_dma source(%dma_start3A_116 : memref<128xi32, #tpu.memory_space<hbm>>) target(%arg9 : memref<128xi32, #tpu.memory_space<vmem>>) target_semaphore(%arg22 : memref<!tpu.dma_semaphore, #tpu.memory_space<semaphore_mem>>)
    } else {
    }
    %add3A_26 = arith.constant 128 : i32
    %add3A_27 = arith.addi %add3A, %add3A_26 : i32
    %lt3A_28 = arith.constant 2500 : i32
    %lt3A_29 = arith.cmpi slt, %add3A_27, %lt3A_28 : i32
    %convert_element_type3A_30 = arith.extui %lt3A_29 : i1 to i32
    %cond3A_31 = arith.constant 0 : i32
    %cond3A_32 = arith.cmpi ne, %convert_element_type3A_30, %cond3A_31 : i32
    scf.if %cond3A_32 {
      %add3A_112 = arith.constant 128 : i32
      %add3A_113 = arith.addi %add3A, %add3A_112 : i32
      %mul3A_114 = arith.constant 128 : i32
      %mul3A_115 = arith.muli %add3A_113, %mul3A_114 : i32
      %dma_start3A = tpu.memref_slice %arg3[%mul3A_115] : memref<320000xi32, #tpu.memory_space<hbm>> -> memref<128xi32, #tpu.memory_space<hbm>>
      %dma_start3A_116 = tpu.memref_slice %arg3[%mul3A_115] : memref<320000xi32, #tpu.memory_space<hbm>> -> memref<128xi32, #tpu.memory_space<hbm>>
      tpu.enqueue_dma source(%dma_start3A_116 : memref<128xi32, #tpu.memory_space<hbm>>) target(%arg10 : memref<128xi32, #tpu.memory_space<vmem>>) target_semaphore(%arg23 : memref<!tpu.dma_semaphore, #tpu.memory_space<semaphore_mem>>)
    } else {
    }
    %add3A_33 = arith.constant 160 : i32
    %add3A_34 = arith.addi %add3A, %add3A_33 : i32
    %lt3A_35 = arith.constant 2500 : i32
    %lt3A_36 = arith.cmpi slt, %add3A_34, %lt3A_35 : i32
    %convert_element_type3A_37 = arith.extui %lt3A_36 : i1 to i32
    %cond3A_38 = arith.constant 0 : i32
    %cond3A_39 = arith.cmpi ne, %convert_element_type3A_37, %cond3A_38 : i32
    scf.if %cond3A_39 {
      %add3A_112 = arith.constant 160 : i32
      %add3A_113 = arith.addi %add3A, %add3A_112 : i32
      %mul3A_114 = arith.constant 128 : i32
      %mul3A_115 = arith.muli %add3A_113, %mul3A_114 : i32
      %dma_start3A = tpu.memref_slice %arg3[%mul3A_115] : memref<320000xi32, #tpu.memory_space<hbm>> -> memref<128xi32, #tpu.memory_space<hbm>>
      %dma_start3A_116 = tpu.memref_slice %arg3[%mul3A_115] : memref<320000xi32, #tpu.memory_space<hbm>> -> memref<128xi32, #tpu.memory_space<hbm>>
      tpu.enqueue_dma source(%dma_start3A_116 : memref<128xi32, #tpu.memory_space<hbm>>) target(%arg11 : memref<128xi32, #tpu.memory_space<vmem>>) target_semaphore(%arg24 : memref<!tpu.dma_semaphore, #tpu.memory_space<semaphore_mem>>)
    } else {
    }
    %add3A_40 = arith.constant 0 : i32
    %add3A_41 = arith.addi %add3A, %add3A_40 : i32
    %lt3A_42 = arith.constant 2500 : i32
    %lt3A_43 = arith.cmpi slt, %add3A_41, %lt3A_42 : i32
    %convert_element_type3A_44 = arith.extui %lt3A_43 : i1 to i32
    %cond3A_45 = arith.constant 0 : i32
    %cond3A_46 = arith.cmpi ne, %convert_element_type3A_44, %cond3A_45 : i32
    scf.if %cond3A_46 {
      %add3A_112 = arith.constant 0 : i32
      %add3A_113 = arith.addi %add3A, %add3A_112 : i32
      %mul3A_114 = arith.constant 128 : i32
      %mul3A_115 = arith.muli %add3A_113, %mul3A_114 : i32
      %dma_start3A = arith.constant 0 : i32
      %dma_start3A_116 = tpu.memref_slice %arg2[%mul3A_115, %dma_start3A] : memref<320000x128xf32, #tpu.memory_space<hbm>> -> memref<128x128xf32, #tpu.memory_space<hbm>>
      %dma_start3A_117 = arith.constant 0 : i32
      %dma_start3A_118 = tpu.memref_slice %arg2[%mul3A_115, %dma_start3A_117] : memref<320000x128xf32, #tpu.memory_space<hbm>> -> memref<128x128xf32, #tpu.memory_space<hbm>>
      tpu.enqueue_dma source(%dma_start3A_118 : memref<128x128xf32, #tpu.memory_space<hbm>>) target(%arg12 : memref<128x128xf32, #tpu.memory_space<vmem>>) target_semaphore(%arg25 : memref<!tpu.dma_semaphore, #tpu.memory_space<semaphore_mem>>)
    } else {
    }
    %add3A_47 = arith.constant 32 : i32
    %add3A_48 = arith.addi %add3A, %add3A_47 : i32
    %lt3A_49 = arith.constant 2500 : i32
    %lt3A_50 = arith.cmpi slt, %add3A_48, %lt3A_49 : i32
    %convert_element_type3A_51 = arith.extui %lt3A_50 : i1 to i32
    %cond3A_52 = arith.constant 0 : i32
    %cond3A_53 = arith.cmpi ne, %convert_element_type3A_51, %cond3A_52 : i32
    scf.if %cond3A_53 {
      %add3A_112 = arith.constant 32 : i32
      %add3A_113 = arith.addi %add3A, %add3A_112 : i32
      %mul3A_114 = arith.constant 128 : i32
      %mul3A_115 = arith.muli %add3A_113, %mul3A_114 : i32
      %dma_start3A = arith.constant 0 : i32
      %dma_start3A_116 = tpu.memref_slice %arg2[%mul3A_115, %dma_start3A] : memref<320000x128xf32, #tpu.memory_space<hbm>> -> memref<128x128xf32, #tpu.memory_space<hbm>>
      %dma_start3A_117 = arith.constant 0 : i32
      %dma_start3A_118 = tpu.memref_slice %arg2[%mul3A_115, %dma_start3A_117] : memref<320000x128xf32, #tpu.memory_space<hbm>> -> memref<128x128xf32, #tpu.memory_space<hbm>>
      tpu.enqueue_dma source(%dma_start3A_118 : memref<128x128xf32, #tpu.memory_space<hbm>>) target(%arg13 : memref<128x128xf32, #tpu.memory_space<vmem>>) target_semaphore(%arg26 : memref<!tpu.dma_semaphore, #tpu.memory_space<semaphore_mem>>)
    } else {
    }
    %add3A_54 = arith.constant 64 : i32
    %add3A_55 = arith.addi %add3A, %add3A_54 : i32
    %lt3A_56 = arith.constant 2500 : i32
    %lt3A_57 = arith.cmpi slt, %add3A_55, %lt3A_56 : i32
    %convert_element_type3A_58 = arith.extui %lt3A_57 : i1 to i32
    %cond3A_59 = arith.constant 0 : i32
    %cond3A_60 = arith.cmpi ne, %convert_element_type3A_58, %cond3A_59 : i32
    scf.if %cond3A_60 {
      %add3A_112 = arith.constant 64 : i32
      %add3A_113 = arith.addi %add3A, %add3A_112 : i32
      %mul3A_114 = arith.constant 128 : i32
      %mul3A_115 = arith.muli %add3A_113, %mul3A_114 : i32
      %dma_start3A = arith.constant 0 : i32
      %dma_start3A_116 = tpu.memref_slice %arg2[%mul3A_115, %dma_start3A] : memref<320000x128xf32, #tpu.memory_space<hbm>> -> memref<128x128xf32, #tpu.memory_space<hbm>>
      %dma_start3A_117 = arith.constant 0 : i32
      %dma_start3A_118 = tpu.memref_slice %arg2[%mul3A_115, %dma_start3A_117] : memref<320000x128xf32, #tpu.memory_space<hbm>> -> memref<128x128xf32, #tpu.memory_space<hbm>>
      tpu.enqueue_dma source(%dma_start3A_118 : memref<128x128xf32, #tpu.memory_space<hbm>>) target(%arg14 : memref<128x128xf32, #tpu.memory_space<vmem>>) target_semaphore(%arg27 : memref<!tpu.dma_semaphore, #tpu.memory_space<semaphore_mem>>)
    } else {
    }
    %eq3A = arith.constant 0 : i32
    %eq3A_61 = arith.cmpi eq, %arg1, %eq3A : i32
    %convert_element_type3A_62 = arith.extui %eq3A_61 : i1 to i32
    %cond3A_63 = arith.constant 0 : i32
    %cond3A_64 = arith.cmpi ne, %convert_element_type3A_62, %cond3A_63 : i32
    scf.if %cond3A_64 {
      "tpu.region"() ({
        %run_scoped3A = tpu.sem_alloc : memref<!tpu.dma_semaphore, #tpu.memory_space<semaphore_mem>>
        tpu.enqueue_dma source(%arg4 : memref<240x128xf32, #tpu.memory_space<hbm>>) target(%arg18 : memref<240x128xf32, #tpu.memory_space<vmem_shared>>) target_semaphore(%run_scoped3A : memref<!tpu.dma_semaphore, #tpu.memory_space<semaphore_mem>>)
        tpu.wait_dma2 semaphore(%run_scoped3A : memref<!tpu.dma_semaphore, #tpu.memory_space<semaphore_mem>>) src(%arg4 : memref<240x128xf32, #tpu.memory_space<hbm>>) dst(%arg18 : memref<240x128xf32, #tpu.memory_space<vmem_shared>>)
        tpu.yield
      }) : () -> ()
    } else {
    }
    %barrier3A = arith.constant 0 : index
    tpu.barrier barrier_id(%barrier3A)
    %add3A_65 = arith.constant 0 : i32
    %add3A_66 = arith.addi %add3A, %add3A_65 : i32
    %lt3A_67 = arith.constant 2500 : i32
    %lt3A_68 = arith.cmpi slt, %add3A_66, %lt3A_67 : i32
    %convert_element_type3A_69 = arith.extui %lt3A_68 : i1 to i32
    %cond3A_70 = arith.constant 0 : i32
    %cond3A_71 = arith.cmpi ne, %convert_element_type3A_69, %cond3A_70 : i32
    scf.if %cond3A_71 {
      %add3A_112 = arith.constant 0 : i32
      %add3A_113 = arith.addi %add3A, %add3A_112 : i32
      %mul3A_114 = arith.constant 128 : i32
      %mul3A_115 = arith.muli %add3A_113, %mul3A_114 : i32
      %dma_wait3A_116 = tpu.memref_slice %arg3[%mul3A_115] : memref<320000xi32, #tpu.memory_space<hbm>> -> memref<128xi32, #tpu.memory_space<hbm>>
      %dma_wait3A_117 = tpu.memref_slice %arg3[%mul3A_115] : memref<320000xi32, #tpu.memory_space<hbm>> -> memref<128xi32, #tpu.memory_space<hbm>>
      tpu.wait_dma2 semaphore(%arg19 : memref<!tpu.dma_semaphore, #tpu.memory_space<semaphore_mem>>) src(%dma_wait3A_117 : memref<128xi32, #tpu.memory_space<hbm>>) dst(%arg6 : memref<128xi32, #tpu.memory_space<vmem>>)
      %add3A_118 = arith.constant 0 : i32
      %add3A_119 = arith.addi %add3A, %add3A_118 : i32
      %mul3A_120 = arith.constant 128 : i32
      %mul3A_121 = arith.muli %add3A_119, %mul3A_120 : i32
      %dma_wait3A_122 = arith.constant 0 : i32
      %dma_wait3A_123 = tpu.memref_slice %arg2[%mul3A_121, %dma_wait3A_122] : memref<320000x128xf32, #tpu.memory_space<hbm>> -> memref<128x128xf32, #tpu.memory_space<hbm>>
      %dma_wait3A_124 = arith.constant 0 : i32
      %dma_wait3A_125 = tpu.memref_slice %arg2[%mul3A_121, %dma_wait3A_124] : memref<320000x128xf32, #tpu.memory_space<hbm>> -> memref<128x128xf32, #tpu.memory_space<hbm>>
      tpu.wait_dma2 semaphore(%arg25 : memref<!tpu.dma_semaphore, #tpu.memory_space<semaphore_mem>>) src(%dma_wait3A_125 : memref<128x128xf32, #tpu.memory_space<hbm>>) dst(%arg12 : memref<128x128xf32, #tpu.memory_space<vmem>>)
      %dma_start3A = arith.constant 0 : i32
      %dma_start3A_126 = arith.constant 0 : i32
      %dma_start3A_127 = tpu.memref_slice %arg18[%dma_start3A, %dma_start3A_126] : memref<240x128xf32, #tpu.memory_space<vmem_shared>> -> memref<240x128xf32, #tpu.memory_space<vmem_shared>>
      tpu.enqueue_indirect_dma source(%dma_start3A_127 : memref<240x128xf32, #tpu.memory_space<vmem_shared>>) target(%arg12 : memref<128x128xf32, #tpu.memory_space<vmem>>) offsets(%arg6 : memref<128xi32, #tpu.memory_space<vmem>>) semaphore(%arg31 : memref<!tpu.dma_semaphore, #tpu.memory_space<semaphore_mem>>) {add = true}
    } else {
    }
    %scan3A = arith.constant 0 : i32
    %scan3A_72 = arith.constant 0 : i32
    %scan3A_73 = arith.constant 14 : i32
    %scan3A_74 = arith.addi %scan3A_72, %scan3A_73 : i32
    %scan3A_75 = arith.constant 1 : i32
    scf.for %scan3A_112 = %scan3A_72 to %scan3A_74 step %scan3A_75  : i32 {
      %mul3A_113 = arith.constant 6 : i32
      %mul3A_114 = arith.muli %scan3A_112, %mul3A_113 : i32
      %add3A_115 = arith.constant 0 : i32
      %add3A_116 = arith.addi %mul3A_114, %add3A_115 : i32
      %add3A_117 = arith.constant 1 : i32
      %add3A_118 = arith.addi %add3A_116, %add3A_117 : i32
      %mul3A_119 = arith.constant 32 : i32
      %mul3A_120 = arith.muli %add3A_118, %mul3A_119 : i32
      %add3A_121 = arith.addi %add3A, %mul3A_120 : i32
      %lt3A_122 = arith.constant 2500 : i32
      %lt3A_123 = arith.cmpi slt, %add3A_121, %lt3A_122 : i32
      %convert_element_type3A_124 = arith.extui %lt3A_123 : i1 to i32
      %cond3A_125 = arith.constant 0 : i32
      %cond3A_126 = arith.cmpi ne, %convert_element_type3A_124, %cond3A_125 : i32
      scf.if %cond3A_126 {
        %mul3A_365 = arith.constant 32 : i32
        %mul3A_366 = arith.muli %add3A_118, %mul3A_365 : i32
        %add3A_367 = arith.addi %add3A, %mul3A_366 : i32
        %mul3A_368 = arith.constant 128 : i32
        %mul3A_369 = arith.muli %add3A_367, %mul3A_368 : i32
        %dma_wait3A_370 = tpu.memref_slice %arg3[%mul3A_369] : memref<320000xi32, #tpu.memory_space<hbm>> -> memref<128xi32, #tpu.memory_space<hbm>>
        %dma_wait3A_371 = tpu.memref_slice %arg3[%mul3A_369] : memref<320000xi32, #tpu.memory_space<hbm>> -> memref<128xi32, #tpu.memory_space<hbm>>
        tpu.wait_dma2 semaphore(%arg20 : memref<!tpu.dma_semaphore, #tpu.memory_space<semaphore_mem>>) src(%dma_wait3A_371 : memref<128xi32, #tpu.memory_space<hbm>>) dst(%arg7 : memref<128xi32, #tpu.memory_space<vmem>>)
        %mul3A_372 = arith.constant 32 : i32
        %mul3A_373 = arith.muli %add3A_118, %mul3A_372 : i32
        %add3A_374 = arith.addi %add3A, %mul3A_373 : i32
        %mul3A_375 = arith.constant 128 : i32
        %mul3A_376 = arith.muli %add3A_374, %mul3A_375 : i32
        %dma_wait3A_377 = arith.constant 0 : i32
        %dma_wait3A_378 = tpu.memref_slice %arg2[%mul3A_376, %dma_wait3A_377] : memref<320000x128xf32, #tpu.memory_space<hbm>> -> memref<128x128xf32, #tpu.memory_space<hbm>>
        %dma_wait3A_379 = arith.constant 0 : i32
        %dma_wait3A_380 = tpu.memref_slice %arg2[%mul3A_376, %dma_wait3A_379] : memref<320000x128xf32, #tpu.memory_space<hbm>> -> memref<128x128xf32, #tpu.memory_space<hbm>>
        tpu.wait_dma2 semaphore(%arg26 : memref<!tpu.dma_semaphore, #tpu.memory_space<semaphore_mem>>) src(%dma_wait3A_380 : memref<128x128xf32, #tpu.memory_space<hbm>>) dst(%arg13 : memref<128x128xf32, #tpu.memory_space<vmem>>)
        %dma_start3A = arith.constant 0 : i32
        %dma_start3A_381 = arith.constant 0 : i32
        %dma_start3A_382 = tpu.memref_slice %arg18[%dma_start3A, %dma_start3A_381] : memref<240x128xf32, #tpu.memory_space<vmem_shared>> -> memref<240x128xf32, #tpu.memory_space<vmem_shared>>
        tpu.enqueue_indirect_dma source(%dma_start3A_382 : memref<240x128xf32, #tpu.memory_space<vmem_shared>>) target(%arg13 : memref<128x128xf32, #tpu.memory_space<vmem>>) offsets(%arg7 : memref<128xi32, #tpu.memory_space<vmem>>) semaphore(%arg32 : memref<!tpu.dma_semaphore, #tpu.memory_space<semaphore_mem>>) {add = true}
      } else {
      }
      %mul3A_127 = arith.constant 32 : i32
      %mul3A_128 = arith.muli %add3A_116, %mul3A_127 : i32
      %add3A_129 = arith.addi %add3A, %mul3A_128 : i32
      %lt3A_130 = arith.constant 2500 : i32
      %lt3A_131 = arith.cmpi slt, %add3A_129, %lt3A_130 : i32
      %convert_element_type3A_132 = arith.extui %lt3A_131 : i1 to i32
      %cond3A_133 = arith.constant 0 : i32
      %cond3A_134 = arith.cmpi ne, %convert_element_type3A_132, %cond3A_133 : i32
      scf.if %cond3A_134 {
        %dma_wait3A_365 = arith.constant 0 : i32
        %dma_wait3A_366 = arith.constant 0 : i32
        %dma_wait3A_367 = tpu.memref_slice %arg18[%dma_wait3A_365, %dma_wait3A_366] : memref<240x128xf32, #tpu.memory_space<vmem_shared>> -> memref<240x128xf32, #tpu.memory_space<vmem_shared>>
        tpu.wait_indirect_dma semaphore(%arg31 : memref<!tpu.dma_semaphore, #tpu.memory_space<semaphore_mem>>) src(%dma_wait3A_367 : memref<240x128xf32, #tpu.memory_space<vmem_shared>>) dst(%arg12 : memref<128x128xf32, #tpu.memory_space<vmem>>)
        %mul3A_368 = arith.constant 32 : i32
        %mul3A_369 = arith.muli %add3A_116, %mul3A_368 : i32
        %add3A_370 = arith.addi %add3A, %mul3A_369 : i32
        %mul3A_371 = arith.constant 128 : i32
        %mul3A_372 = arith.muli %add3A_370, %mul3A_371 : i32
        %dma_start3A = arith.constant 0 : i32
        %dma_start3A_373 = tpu.memref_slice %arg5[%mul3A_372, %dma_start3A] : memref<320000x128xf32, #tpu.memory_space<hbm>> -> memref<128x128xf32, #tpu.memory_space<hbm>>
        %dma_start3A_374 = arith.constant 0 : i32
        %dma_start3A_375 = tpu.memref_slice %arg5[%mul3A_372, %dma_start3A_374] : memref<320000x128xf32, #tpu.memory_space<hbm>> -> memref<128x128xf32, #tpu.memory_space<hbm>>
        tpu.enqueue_dma source(%arg12 : memref<128x128xf32, #tpu.memory_space<vmem>>) target(%dma_start3A_375 : memref<128x128xf32, #tpu.memory_space<hbm>>) target_semaphore(%arg37 : memref<!tpu.dma_semaphore, #tpu.memory_space<semaphore_mem>>)
      } else {
      }
      %add3A_135 = arith.constant 3 : i32
      %add3A_136 = arith.addi %add3A_116, %add3A_135 : i32
      %mul3A_137 = arith.constant 32 : i32
      %mul3A_138 = arith.muli %add3A_136, %mul3A_137 : i32
      %add3A_139 = arith.addi %add3A, %mul3A_138 : i32
      %lt3A_140 = arith.constant 2500 : i32
      %lt3A_141 = arith.cmpi slt, %add3A_139, %lt3A_140 : i32
      %convert_element_type3A_142 = arith.extui %lt3A_141 : i1 to i32
      %cond3A_143 = arith.constant 0 : i32
      %cond3A_144 = arith.cmpi ne, %convert_element_type3A_142, %cond3A_143 : i32
      scf.if %cond3A_144 {
        %ge3A = arith.constant 6 : i32
        %ge3A_365 = arith.cmpi sge, %add3A_136, %ge3A : i32
        %convert_element_type3A_366 = arith.extui %ge3A_365 : i1 to i32
        %cond3A_367 = arith.constant 0 : i32
        %cond3A_368 = arith.cmpi ne, %convert_element_type3A_366, %cond3A_367 : i32
        scf.if %cond3A_368 {
          %dma_wait3A_377 = arith.constant 0 : i32
          %dma_wait3A_378 = arith.constant 0 : i32
          %dma_wait3A_379 = tpu.memref_slice %arg5[%dma_wait3A_377, %dma_wait3A_378] : memref<320000x128xf32, #tpu.memory_space<hbm>> -> memref<128x128xf32, #tpu.memory_space<hbm>>
          %dma_wait3A_380 = arith.constant 0 : i32
          %dma_wait3A_381 = arith.constant 0 : i32
          %dma_wait3A_382 = tpu.memref_slice %arg5[%dma_wait3A_380, %dma_wait3A_381] : memref<320000x128xf32, #tpu.memory_space<hbm>> -> memref<128x128xf32, #tpu.memory_space<hbm>>
          tpu.wait_dma2 semaphore(%arg40 : memref<!tpu.dma_semaphore, #tpu.memory_space<semaphore_mem>>) src(%arg15 : memref<128x128xf32, #tpu.memory_space<vmem>>) dst(%dma_wait3A_382 : memref<128x128xf32, #tpu.memory_space<hbm>>)
        } else {
        }
        %mul3A_369 = arith.constant 32 : i32
        %mul3A_370 = arith.muli %add3A_136, %mul3A_369 : i32
        %add3A_371 = arith.addi %add3A, %mul3A_370 : i32
        %mul3A_372 = arith.constant 128 : i32
        %mul3A_373 = arith.muli %add3A_371, %mul3A_372 : i32
        %dma_start3A = arith.constant 0 : i32
        %dma_start3A_374 = tpu.memref_slice %arg2[%mul3A_373, %dma_start3A] : memref<320000x128xf32, #tpu.memory_space<hbm>> -> memref<128x128xf32, #tpu.memory_space<hbm>>
        %dma_start3A_375 = arith.constant 0 : i32
        %dma_start3A_376 = tpu.memref_slice %arg2[%mul3A_373, %dma_start3A_375] : memref<320000x128xf32, #tpu.memory_space<hbm>> -> memref<128x128xf32, #tpu.memory_space<hbm>>
        tpu.enqueue_dma source(%dma_start3A_376 : memref<128x128xf32, #tpu.memory_space<hbm>>) target(%arg15 : memref<128x128xf32, #tpu.memory_space<vmem>>) target_semaphore(%arg28 : memref<!tpu.dma_semaphore, #tpu.memory_space<semaphore_mem>>)
      } else {
      }
      %add3A_145 = arith.constant 6 : i32
      %add3A_146 = arith.addi %add3A_116, %add3A_145 : i32
      %mul3A_147 = arith.constant 32 : i32
      %mul3A_148 = arith.muli %add3A_146, %mul3A_147 : i32
      %add3A_149 = arith.addi %add3A, %mul3A_148 : i32
      %lt3A_150 = arith.constant 2500 : i32
      %lt3A_151 = arith.cmpi slt, %add3A_149, %lt3A_150 : i32
      %convert_element_type3A_152 = arith.extui %lt3A_151 : i1 to i32
      %cond3A_153 = arith.constant 0 : i32
      %cond3A_154 = arith.cmpi ne, %convert_element_type3A_152, %cond3A_153 : i32
      scf.if %cond3A_154 {
        %mul3A_365 = arith.constant 32 : i32
        %mul3A_366 = arith.muli %add3A_146, %mul3A_365 : i32
        %add3A_367 = arith.addi %add3A, %mul3A_366 : i32
        %mul3A_368 = arith.constant 128 : i32
        %mul3A_369 = arith.muli %add3A_367, %mul3A_368 : i32
        %dma_start3A = tpu.memref_slice %arg3[%mul3A_369] : memref<320000xi32, #tpu.memory_space<hbm>> -> memref<128xi32, #tpu.memory_space<hbm>>
        %dma_start3A_370 = tpu.memref_slice %arg3[%mul3A_369] : memref<320000xi32, #tpu.memory_space<hbm>> -> memref<128xi32, #tpu.memory_space<hbm>>
        tpu.enqueue_dma source(%dma_start3A_370 : memref<128xi32, #tpu.memory_space<hbm>>) target(%arg6 : memref<128xi32, #tpu.memory_space<vmem>>) target_semaphore(%arg19 : memref<!tpu.dma_semaphore, #tpu.memory_space<semaphore_mem>>)
      } else {
      }
      %mul3A_155 = arith.constant 6 : i32
      %mul3A_156 = arith.muli %scan3A_112, %mul3A_155 : i32
      %add3A_157 = arith.constant 1 : i32
      %add3A_158 = arith.addi %mul3A_156, %add3A_157 : i32
      %add3A_159 = arith.constant 1 : i32
      %add3A_160 = arith.addi %add3A_158, %add3A_159 : i32
      %mul3A_161 = arith.constant 32 : i32
      %mul3A_162 = arith.muli %add3A_160, %mul3A_161 : i32
      %add3A_163 = arith.addi %add3A, %mul3A_162 : i32
      %lt3A_164 = arith.constant 2500 : i32
      %lt3A_165 = arith.cmpi slt, %add3A_163, %lt3A_164 : i32
      %convert_element_type3A_166 = arith.extui %lt3A_165 : i1 to i32
      %cond3A_167 = arith.constant 0 : i32
      %cond3A_168 = arith.cmpi ne, %convert_element_type3A_166, %cond3A_167 : i32
      scf.if %cond3A_168 {
        %mul3A_365 = arith.constant 32 : i32
        %mul3A_366 = arith.muli %add3A_160, %mul3A_365 : i32
        %add3A_367 = arith.addi %add3A, %mul3A_366 : i32
        %mul3A_368 = arith.constant 128 : i32
        %mul3A_369 = arith.muli %add3A_367, %mul3A_368 : i32
        %dma_wait3A_370 = tpu.memref_slice %arg3[%mul3A_369] : memref<320000xi32, #tpu.memory_space<hbm>> -> memref<128xi32, #tpu.memory_space<hbm>>
        %dma_wait3A_371 = tpu.memref_slice %arg3[%mul3A_369] : memref<320000xi32, #tpu.memory_space<hbm>> -> memref<128xi32, #tpu.memory_space<hbm>>
        tpu.wait_dma2 semaphore(%arg21 : memref<!tpu.dma_semaphore, #tpu.memory_space<semaphore_mem>>) src(%dma_wait3A_371 : memref<128xi32, #tpu.memory_space<hbm>>) dst(%arg8 : memref<128xi32, #tpu.memory_space<vmem>>)
        %mul3A_372 = arith.constant 32 : i32
        %mul3A_373 = arith.muli %add3A_160, %mul3A_372 : i32
        %add3A_374 = arith.addi %add3A, %mul3A_373 : i32
        %mul3A_375 = arith.constant 128 : i32
        %mul3A_376 = arith.muli %add3A_374, %mul3A_375 : i32
        %dma_wait3A_377 = arith.constant 0 : i32
        %dma_wait3A_378 = tpu.memref_slice %arg2[%mul3A_376, %dma_wait3A_377] : memref<320000x128xf32, #tpu.memory_space<hbm>> -> memref<128x128xf32, #tpu.memory_space<hbm>>
        %dma_wait3A_379 = arith.constant 0 : i32
        %dma_wait3A_380 = tpu.memref_slice %arg2[%mul3A_376, %dma_wait3A_379] : memref<320000x128xf32, #tpu.memory_space<hbm>> -> memref<128x128xf32, #tpu.memory_space<hbm>>
        tpu.wait_dma2 semaphore(%arg27 : memref<!tpu.dma_semaphore, #tpu.memory_space<semaphore_mem>>) src(%dma_wait3A_380 : memref<128x128xf32, #tpu.memory_space<hbm>>) dst(%arg14 : memref<128x128xf32, #tpu.memory_space<vmem>>)
        %dma_start3A = arith.constant 0 : i32
        %dma_start3A_381 = arith.constant 0 : i32
        %dma_start3A_382 = tpu.memref_slice %arg18[%dma_start3A, %dma_start3A_381] : memref<240x128xf32, #tpu.memory_space<vmem_shared>> -> memref<240x128xf32, #tpu.memory_space<vmem_shared>>
        tpu.enqueue_indirect_dma source(%dma_start3A_382 : memref<240x128xf32, #tpu.memory_space<vmem_shared>>) target(%arg14 : memref<128x128xf32, #tpu.memory_space<vmem>>) offsets(%arg8 : memref<128xi32, #tpu.memory_space<vmem>>) semaphore(%arg33 : memref<!tpu.dma_semaphore, #tpu.memory_space<semaphore_mem>>) {add = true}
      } else {
      }
      %mul3A_169 = arith.constant 32 : i32
      %mul3A_170 = arith.muli %add3A_158, %mul3A_169 : i32
      %add3A_171 = arith.addi %add3A, %mul3A_170 : i32
      %lt3A_172 = arith.constant 2500 : i32
      %lt3A_173 = arith.cmpi slt, %add3A_171, %lt3A_172 : i32
      %convert_element_type3A_174 = arith.extui %lt3A_173 : i1 to i32
      %cond3A_175 = arith.constant 0 : i32
      %cond3A_176 = arith.cmpi ne, %convert_element_type3A_174, %cond3A_175 : i32
      scf.if %cond3A_176 {
        %dma_wait3A_365 = arith.constant 0 : i32
        %dma_wait3A_366 = arith.constant 0 : i32
        %dma_wait3A_367 = tpu.memref_slice %arg18[%dma_wait3A_365, %dma_wait3A_366] : memref<240x128xf32, #tpu.memory_space<vmem_shared>> -> memref<240x128xf32, #tpu.memory_space<vmem_shared>>
        tpu.wait_indirect_dma semaphore(%arg32 : memref<!tpu.dma_semaphore, #tpu.memory_space<semaphore_mem>>) src(%dma_wait3A_367 : memref<240x128xf32, #tpu.memory_space<vmem_shared>>) dst(%arg13 : memref<128x128xf32, #tpu.memory_space<vmem>>)
        %mul3A_368 = arith.constant 32 : i32
        %mul3A_369 = arith.muli %add3A_158, %mul3A_368 : i32
        %add3A_370 = arith.addi %add3A, %mul3A_369 : i32
        %mul3A_371 = arith.constant 128 : i32
        %mul3A_372 = arith.muli %add3A_370, %mul3A_371 : i32
        %dma_start3A = arith.constant 0 : i32
        %dma_start3A_373 = tpu.memref_slice %arg5[%mul3A_372, %dma_start3A] : memref<320000x128xf32, #tpu.memory_space<hbm>> -> memref<128x128xf32, #tpu.memory_space<hbm>>
        %dma_start3A_374 = arith.constant 0 : i32
        %dma_start3A_375 = tpu.memref_slice %arg5[%mul3A_372, %dma_start3A_374] : memref<320000x128xf32, #tpu.memory_space<hbm>> -> memref<128x128xf32, #tpu.memory_space<hbm>>
        tpu.enqueue_dma source(%arg13 : memref<128x128xf32, #tpu.memory_space<vmem>>) target(%dma_start3A_375 : memref<128x128xf32, #tpu.memory_space<hbm>>) target_semaphore(%arg38 : memref<!tpu.dma_semaphore, #tpu.memory_space<semaphore_mem>>)
      } else {
      }
      %add3A_177 = arith.constant 3 : i32
      %add3A_178 = arith.addi %add3A_158, %add3A_177 : i32
      %mul3A_179 = arith.constant 32 : i32
      %mul3A_180 = arith.muli %add3A_178, %mul3A_179 : i32
      %add3A_181 = arith.addi %add3A, %mul3A_180 : i32
      %lt3A_182 = arith.constant 2500 : i32
      %lt3A_183 = arith.cmpi slt, %add3A_181, %lt3A_182 : i32
      %convert_element_type3A_184 = arith.extui %lt3A_183 : i1 to i32
      %cond3A_185 = arith.constant 0 : i32
      %cond3A_186 = arith.cmpi ne, %convert_element_type3A_184, %cond3A_185 : i32
      scf.if %cond3A_186 {
        %ge3A = arith.constant 6 : i32
        %ge3A_365 = arith.cmpi sge, %add3A_178, %ge3A : i32
        %convert_element_type3A_366 = arith.extui %ge3A_365 : i1 to i32
        %cond3A_367 = arith.constant 0 : i32
        %cond3A_368 = arith.cmpi ne, %convert_element_type3A_366, %cond3A_367 : i32
        scf.if %cond3A_368 {
          %dma_wait3A_377 = arith.constant 0 : i32
          %dma_wait3A_378 = arith.constant 0 : i32
          %dma_wait3A_379 = tpu.memref_slice %arg5[%dma_wait3A_377, %dma_wait3A_378] : memref<320000x128xf32, #tpu.memory_space<hbm>> -> memref<128x128xf32, #tpu.memory_space<hbm>>
          %dma_wait3A_380 = arith.constant 0 : i32
          %dma_wait3A_381 = arith.constant 0 : i32
          %dma_wait3A_382 = tpu.memref_slice %arg5[%dma_wait3A_380, %dma_wait3A_381] : memref<320000x128xf32, #tpu.memory_space<hbm>> -> memref<128x128xf32, #tpu.memory_space<hbm>>
          tpu.wait_dma2 semaphore(%arg41 : memref<!tpu.dma_semaphore, #tpu.memory_space<semaphore_mem>>) src(%arg16 : memref<128x128xf32, #tpu.memory_space<vmem>>) dst(%dma_wait3A_382 : memref<128x128xf32, #tpu.memory_space<hbm>>)
        } else {
        }
        %mul3A_369 = arith.constant 32 : i32
        %mul3A_370 = arith.muli %add3A_178, %mul3A_369 : i32
        %add3A_371 = arith.addi %add3A, %mul3A_370 : i32
        %mul3A_372 = arith.constant 128 : i32
        %mul3A_373 = arith.muli %add3A_371, %mul3A_372 : i32
        %dma_start3A = arith.constant 0 : i32
        %dma_start3A_374 = tpu.memref_slice %arg2[%mul3A_373, %dma_start3A] : memref<320000x128xf32, #tpu.memory_space<hbm>> -> memref<128x128xf32, #tpu.memory_space<hbm>>
        %dma_start3A_375 = arith.constant 0 : i32
        %dma_start3A_376 = tpu.memref_slice %arg2[%mul3A_373, %dma_start3A_375] : memref<320000x128xf32, #tpu.memory_space<hbm>> -> memref<128x128xf32, #tpu.memory_space<hbm>>
        tpu.enqueue_dma source(%dma_start3A_376 : memref<128x128xf32, #tpu.memory_space<hbm>>) target(%arg16 : memref<128x128xf32, #tpu.memory_space<vmem>>) target_semaphore(%arg29 : memref<!tpu.dma_semaphore, #tpu.memory_space<semaphore_mem>>)
      } else {
      }
      %add3A_187 = arith.constant 6 : i32
      %add3A_188 = arith.addi %add3A_158, %add3A_187 : i32
      %mul3A_189 = arith.constant 32 : i32
      %mul3A_190 = arith.muli %add3A_188, %mul3A_189 : i32
      %add3A_191 = arith.addi %add3A, %mul3A_190 : i32
      %lt3A_192 = arith.constant 2500 : i32
      %lt3A_193 = arith.cmpi slt, %add3A_191, %lt3A_192 : i32
      %convert_element_type3A_194 = arith.extui %lt3A_193 : i1 to i32
      %cond3A_195 = arith.constant 0 : i32
      %cond3A_196 = arith.cmpi ne, %convert_element_type3A_194, %cond3A_195 : i32
      scf.if %cond3A_196 {
        %mul3A_365 = arith.constant 32 : i32
        %mul3A_366 = arith.muli %add3A_188, %mul3A_365 : i32
        %add3A_367 = arith.addi %add3A, %mul3A_366 : i32
        %mul3A_368 = arith.constant 128 : i32
        %mul3A_369 = arith.muli %add3A_367, %mul3A_368 : i32
        %dma_start3A = tpu.memref_slice %arg3[%mul3A_369] : memref<320000xi32, #tpu.memory_space<hbm>> -> memref<128xi32, #tpu.memory_space<hbm>>
        %dma_start3A_370 = tpu.memref_slice %arg3[%mul3A_369] : memref<320000xi32, #tpu.memory_space<hbm>> -> memref<128xi32, #tpu.memory_space<hbm>>
        tpu.enqueue_dma source(%dma_start3A_370 : memref<128xi32, #tpu.memory_space<hbm>>) target(%arg7 : memref<128xi32, #tpu.memory_space<vmem>>) target_semaphore(%arg20 : memref<!tpu.dma_semaphore, #tpu.memory_space<semaphore_mem>>)
      } else {
      }
      %mul3A_197 = arith.constant 6 : i32
      %mul3A_198 = arith.muli %scan3A_112, %mul3A_197 : i32
      %add3A_199 = arith.constant 2 : i32
      %add3A_200 = arith.addi %mul3A_198, %add3A_199 : i32
      %add3A_201 = arith.constant 1 : i32
      %add3A_202 = arith.addi %add3A_200, %add3A_201 : i32
      %mul3A_203 = arith.constant 32 : i32
      %mul3A_204 = arith.muli %add3A_202, %mul3A_203 : i32
      %add3A_205 = arith.addi %add3A, %mul3A_204 : i32
      %lt3A_206 = arith.constant 2500 : i32
      %lt3A_207 = arith.cmpi slt, %add3A_205, %lt3A_206 : i32
      %convert_element_type3A_208 = arith.extui %lt3A_207 : i1 to i32
      %cond3A_209 = arith.constant 0 : i32
      %cond3A_210 = arith.cmpi ne, %convert_element_type3A_208, %cond3A_209 : i32
      scf.if %cond3A_210 {
        %mul3A_365 = arith.constant 32 : i32
        %mul3A_366 = arith.muli %add3A_202, %mul3A_365 : i32
        %add3A_367 = arith.addi %add3A, %mul3A_366 : i32
        %mul3A_368 = arith.constant 128 : i32
        %mul3A_369 = arith.muli %add3A_367, %mul3A_368 : i32
        %dma_wait3A_370 = tpu.memref_slice %arg3[%mul3A_369] : memref<320000xi32, #tpu.memory_space<hbm>> -> memref<128xi32, #tpu.memory_space<hbm>>
        %dma_wait3A_371 = tpu.memref_slice %arg3[%mul3A_369] : memref<320000xi32, #tpu.memory_space<hbm>> -> memref<128xi32, #tpu.memory_space<hbm>>
        tpu.wait_dma2 semaphore(%arg22 : memref<!tpu.dma_semaphore, #tpu.memory_space<semaphore_mem>>) src(%dma_wait3A_371 : memref<128xi32, #tpu.memory_space<hbm>>) dst(%arg9 : memref<128xi32, #tpu.memory_space<vmem>>)
        %mul3A_372 = arith.constant 32 : i32
        %mul3A_373 = arith.muli %add3A_202, %mul3A_372 : i32
        %add3A_374 = arith.addi %add3A, %mul3A_373 : i32
        %mul3A_375 = arith.constant 128 : i32
        %mul3A_376 = arith.muli %add3A_374, %mul3A_375 : i32
        %dma_wait3A_377 = arith.constant 0 : i32
        %dma_wait3A_378 = tpu.memref_slice %arg2[%mul3A_376, %dma_wait3A_377] : memref<320000x128xf32, #tpu.memory_space<hbm>> -> memref<128x128xf32, #tpu.memory_space<hbm>>
        %dma_wait3A_379 = arith.constant 0 : i32
        %dma_wait3A_380 = tpu.memref_slice %arg2[%mul3A_376, %dma_wait3A_379] : memref<320000x128xf32, #tpu.memory_space<hbm>> -> memref<128x128xf32, #tpu.memory_space<hbm>>
        tpu.wait_dma2 semaphore(%arg28 : memref<!tpu.dma_semaphore, #tpu.memory_space<semaphore_mem>>) src(%dma_wait3A_380 : memref<128x128xf32, #tpu.memory_space<hbm>>) dst(%arg15 : memref<128x128xf32, #tpu.memory_space<vmem>>)
        %dma_start3A = arith.constant 0 : i32
        %dma_start3A_381 = arith.constant 0 : i32
        %dma_start3A_382 = tpu.memref_slice %arg18[%dma_start3A, %dma_start3A_381] : memref<240x128xf32, #tpu.memory_space<vmem_shared>> -> memref<240x128xf32, #tpu.memory_space<vmem_shared>>
        tpu.enqueue_indirect_dma source(%dma_start3A_382 : memref<240x128xf32, #tpu.memory_space<vmem_shared>>) target(%arg15 : memref<128x128xf32, #tpu.memory_space<vmem>>) offsets(%arg9 : memref<128xi32, #tpu.memory_space<vmem>>) semaphore(%arg34 : memref<!tpu.dma_semaphore, #tpu.memory_space<semaphore_mem>>) {add = true}
      } else {
      }
      %mul3A_211 = arith.constant 32 : i32
      %mul3A_212 = arith.muli %add3A_200, %mul3A_211 : i32
      %add3A_213 = arith.addi %add3A, %mul3A_212 : i32
      %lt3A_214 = arith.constant 2500 : i32
      %lt3A_215 = arith.cmpi slt, %add3A_213, %lt3A_214 : i32
      %convert_element_type3A_216 = arith.extui %lt3A_215 : i1 to i32
      %cond3A_217 = arith.constant 0 : i32
      %cond3A_218 = arith.cmpi ne, %convert_element_type3A_216, %cond3A_217 : i32
      scf.if %cond3A_218 {
        %dma_wait3A_365 = arith.constant 0 : i32
        %dma_wait3A_366 = arith.constant 0 : i32
        %dma_wait3A_367 = tpu.memref_slice %arg18[%dma_wait3A_365, %dma_wait3A_366] : memref<240x128xf32, #tpu.memory_space<vmem_shared>> -> memref<240x128xf32, #tpu.memory_space<vmem_shared>>
        tpu.wait_indirect_dma semaphore(%arg33 : memref<!tpu.dma_semaphore, #tpu.memory_space<semaphore_mem>>) src(%dma_wait3A_367 : memref<240x128xf32, #tpu.memory_space<vmem_shared>>) dst(%arg14 : memref<128x128xf32, #tpu.memory_space<vmem>>)
        %mul3A_368 = arith.constant 32 : i32
        %mul3A_369 = arith.muli %add3A_200, %mul3A_368 : i32
        %add3A_370 = arith.addi %add3A, %mul3A_369 : i32
        %mul3A_371 = arith.constant 128 : i32
        %mul3A_372 = arith.muli %add3A_370, %mul3A_371 : i32
        %dma_start3A = arith.constant 0 : i32
        %dma_start3A_373 = tpu.memref_slice %arg5[%mul3A_372, %dma_start3A] : memref<320000x128xf32, #tpu.memory_space<hbm>> -> memref<128x128xf32, #tpu.memory_space<hbm>>
        %dma_start3A_374 = arith.constant 0 : i32
        %dma_start3A_375 = tpu.memref_slice %arg5[%mul3A_372, %dma_start3A_374] : memref<320000x128xf32, #tpu.memory_space<hbm>> -> memref<128x128xf32, #tpu.memory_space<hbm>>
        tpu.enqueue_dma source(%arg14 : memref<128x128xf32, #tpu.memory_space<vmem>>) target(%dma_start3A_375 : memref<128x128xf32, #tpu.memory_space<hbm>>) target_semaphore(%arg39 : memref<!tpu.dma_semaphore, #tpu.memory_space<semaphore_mem>>)
      } else {
      }
      %add3A_219 = arith.constant 3 : i32
      %add3A_220 = arith.addi %add3A_200, %add3A_219 : i32
      %mul3A_221 = arith.constant 32 : i32
      %mul3A_222 = arith.muli %add3A_220, %mul3A_221 : i32
      %add3A_223 = arith.addi %add3A, %mul3A_222 : i32
      %lt3A_224 = arith.constant 2500 : i32
      %lt3A_225 = arith.cmpi slt, %add3A_223, %lt3A_224 : i32
      %convert_element_type3A_226 = arith.extui %lt3A_225 : i1 to i32
      %cond3A_227 = arith.constant 0 : i32
      %cond3A_228 = arith.cmpi ne, %convert_element_type3A_226, %cond3A_227 : i32
      scf.if %cond3A_228 {
        %ge3A = arith.constant 6 : i32
        %ge3A_365 = arith.cmpi sge, %add3A_220, %ge3A : i32
        %convert_element_type3A_366 = arith.extui %ge3A_365 : i1 to i32
        %cond3A_367 = arith.constant 0 : i32
        %cond3A_368 = arith.cmpi ne, %convert_element_type3A_366, %cond3A_367 : i32
        scf.if %cond3A_368 {
          %dma_wait3A_377 = arith.constant 0 : i32
          %dma_wait3A_378 = arith.constant 0 : i32
          %dma_wait3A_379 = tpu.memref_slice %arg5[%dma_wait3A_377, %dma_wait3A_378] : memref<320000x128xf32, #tpu.memory_space<hbm>> -> memref<128x128xf32, #tpu.memory_space<hbm>>
          %dma_wait3A_380 = arith.constant 0 : i32
          %dma_wait3A_381 = arith.constant 0 : i32
          %dma_wait3A_382 = tpu.memref_slice %arg5[%dma_wait3A_380, %dma_wait3A_381] : memref<320000x128xf32, #tpu.memory_space<hbm>> -> memref<128x128xf32, #tpu.memory_space<hbm>>
          tpu.wait_dma2 semaphore(%arg42 : memref<!tpu.dma_semaphore, #tpu.memory_space<semaphore_mem>>) src(%arg17 : memref<128x128xf32, #tpu.memory_space<vmem>>) dst(%dma_wait3A_382 : memref<128x128xf32, #tpu.memory_space<hbm>>)
        } else {
        }
        %mul3A_369 = arith.constant 32 : i32
        %mul3A_370 = arith.muli %add3A_220, %mul3A_369 : i32
        %add3A_371 = arith.addi %add3A, %mul3A_370 : i32
        %mul3A_372 = arith.constant 128 : i32
        %mul3A_373 = arith.muli %add3A_371, %mul3A_372 : i32
        %dma_start3A = arith.constant 0 : i32
        %dma_start3A_374 = tpu.memref_slice %arg2[%mul3A_373, %dma_start3A] : memref<320000x128xf32, #tpu.memory_space<hbm>> -> memref<128x128xf32, #tpu.memory_space<hbm>>
        %dma_start3A_375 = arith.constant 0 : i32
        %dma_start3A_376 = tpu.memref_slice %arg2[%mul3A_373, %dma_start3A_375] : memref<320000x128xf32, #tpu.memory_space<hbm>> -> memref<128x128xf32, #tpu.memory_space<hbm>>
        tpu.enqueue_dma source(%dma_start3A_376 : memref<128x128xf32, #tpu.memory_space<hbm>>) target(%arg17 : memref<128x128xf32, #tpu.memory_space<vmem>>) target_semaphore(%arg30 : memref<!tpu.dma_semaphore, #tpu.memory_space<semaphore_mem>>)
      } else {
      }
      %add3A_229 = arith.constant 6 : i32
      %add3A_230 = arith.addi %add3A_200, %add3A_229 : i32
      %mul3A_231 = arith.constant 32 : i32
      %mul3A_232 = arith.muli %add3A_230, %mul3A_231 : i32
      %add3A_233 = arith.addi %add3A, %mul3A_232 : i32
      %lt3A_234 = arith.constant 2500 : i32
      %lt3A_235 = arith.cmpi slt, %add3A_233, %lt3A_234 : i32
      %convert_element_type3A_236 = arith.extui %lt3A_235 : i1 to i32
      %cond3A_237 = arith.constant 0 : i32
      %cond3A_238 = arith.cmpi ne, %convert_element_type3A_236, %cond3A_237 : i32
      scf.if %cond3A_238 {
        %mul3A_365 = arith.constant 32 : i32
        %mul3A_366 = arith.muli %add3A_230, %mul3A_365 : i32
        %add3A_367 = arith.addi %add3A, %mul3A_366 : i32
        %mul3A_368 = arith.constant 128 : i32
        %mul3A_369 = arith.muli %add3A_367, %mul3A_368 : i32
        %dma_start3A = tpu.memref_slice %arg3[%mul3A_369] : memref<320000xi32, #tpu.memory_space<hbm>> -> memref<128xi32, #tpu.memory_space<hbm>>
        %dma_start3A_370 = tpu.memref_slice %arg3[%mul3A_369] : memref<320000xi32, #tpu.memory_space<hbm>> -> memref<128xi32, #tpu.memory_space<hbm>>
        tpu.enqueue_dma source(%dma_start3A_370 : memref<128xi32, #tpu.memory_space<hbm>>) target(%arg8 : memref<128xi32, #tpu.memory_space<vmem>>) target_semaphore(%arg21 : memref<!tpu.dma_semaphore, #tpu.memory_space<semaphore_mem>>)
      } else {
      }
      %mul3A_239 = arith.constant 6 : i32
      %mul3A_240 = arith.muli %scan3A_112, %mul3A_239 : i32
      %add3A_241 = arith.constant 3 : i32
      %add3A_242 = arith.addi %mul3A_240, %add3A_241 : i32
      %add3A_243 = arith.constant 1 : i32
      %add3A_244 = arith.addi %add3A_242, %add3A_243 : i32
      %mul3A_245 = arith.constant 32 : i32
      %mul3A_246 = arith.muli %add3A_244, %mul3A_245 : i32
      %add3A_247 = arith.addi %add3A, %mul3A_246 : i32
      %lt3A_248 = arith.constant 2500 : i32
      %lt3A_249 = arith.cmpi slt, %add3A_247, %lt3A_248 : i32
      %convert_element_type3A_250 = arith.extui %lt3A_249 : i1 to i32
      %cond3A_251 = arith.constant 0 : i32
      %cond3A_252 = arith.cmpi ne, %convert_element_type3A_250, %cond3A_251 : i32
      scf.if %cond3A_252 {
        %mul3A_365 = arith.constant 32 : i32
        %mul3A_366 = arith.muli %add3A_244, %mul3A_365 : i32
        %add3A_367 = arith.addi %add3A, %mul3A_366 : i32
        %mul3A_368 = arith.constant 128 : i32
        %mul3A_369 = arith.muli %add3A_367, %mul3A_368 : i32
        %dma_wait3A_370 = tpu.memref_slice %arg3[%mul3A_369] : memref<320000xi32, #tpu.memory_space<hbm>> -> memref<128xi32, #tpu.memory_space<hbm>>
        %dma_wait3A_371 = tpu.memref_slice %arg3[%mul3A_369] : memref<320000xi32, #tpu.memory_space<hbm>> -> memref<128xi32, #tpu.memory_space<hbm>>
        tpu.wait_dma2 semaphore(%arg23 : memref<!tpu.dma_semaphore, #tpu.memory_space<semaphore_mem>>) src(%dma_wait3A_371 : memref<128xi32, #tpu.memory_space<hbm>>) dst(%arg10 : memref<128xi32, #tpu.memory_space<vmem>>)
        %mul3A_372 = arith.constant 32 : i32
        %mul3A_373 = arith.muli %add3A_244, %mul3A_372 : i32
        %add3A_374 = arith.addi %add3A, %mul3A_373 : i32
        %mul3A_375 = arith.constant 128 : i32
        %mul3A_376 = arith.muli %add3A_374, %mul3A_375 : i32
        %dma_wait3A_377 = arith.constant 0 : i32
        %dma_wait3A_378 = tpu.memref_slice %arg2[%mul3A_376, %dma_wait3A_377] : memref<320000x128xf32, #tpu.memory_space<hbm>> -> memref<128x128xf32, #tpu.memory_space<hbm>>
        %dma_wait3A_379 = arith.constant 0 : i32
        %dma_wait3A_380 = tpu.memref_slice %arg2[%mul3A_376, %dma_wait3A_379] : memref<320000x128xf32, #tpu.memory_space<hbm>> -> memref<128x128xf32, #tpu.memory_space<hbm>>
        tpu.wait_dma2 semaphore(%arg29 : memref<!tpu.dma_semaphore, #tpu.memory_space<semaphore_mem>>) src(%dma_wait3A_380 : memref<128x128xf32, #tpu.memory_space<hbm>>) dst(%arg16 : memref<128x128xf32, #tpu.memory_space<vmem>>)
        %dma_start3A = arith.constant 0 : i32
        %dma_start3A_381 = arith.constant 0 : i32
        %dma_start3A_382 = tpu.memref_slice %arg18[%dma_start3A, %dma_start3A_381] : memref<240x128xf32, #tpu.memory_space<vmem_shared>> -> memref<240x128xf32, #tpu.memory_space<vmem_shared>>
        tpu.enqueue_indirect_dma source(%dma_start3A_382 : memref<240x128xf32, #tpu.memory_space<vmem_shared>>) target(%arg16 : memref<128x128xf32, #tpu.memory_space<vmem>>) offsets(%arg10 : memref<128xi32, #tpu.memory_space<vmem>>) semaphore(%arg35 : memref<!tpu.dma_semaphore, #tpu.memory_space<semaphore_mem>>) {add = true}
      } else {
      }
      %mul3A_253 = arith.constant 32 : i32
      %mul3A_254 = arith.muli %add3A_242, %mul3A_253 : i32
      %add3A_255 = arith.addi %add3A, %mul3A_254 : i32
      %lt3A_256 = arith.constant 2500 : i32
      %lt3A_257 = arith.cmpi slt, %add3A_255, %lt3A_256 : i32
      %convert_element_type3A_258 = arith.extui %lt3A_257 : i1 to i32
      %cond3A_259 = arith.constant 0 : i32
      %cond3A_260 = arith.cmpi ne, %convert_element_type3A_258, %cond3A_259 : i32
      scf.if %cond3A_260 {
        %dma_wait3A_365 = arith.constant 0 : i32
        %dma_wait3A_366 = arith.constant 0 : i32
        %dma_wait3A_367 = tpu.memref_slice %arg18[%dma_wait3A_365, %dma_wait3A_366] : memref<240x128xf32, #tpu.memory_space<vmem_shared>> -> memref<240x128xf32, #tpu.memory_space<vmem_shared>>
        tpu.wait_indirect_dma semaphore(%arg34 : memref<!tpu.dma_semaphore, #tpu.memory_space<semaphore_mem>>) src(%dma_wait3A_367 : memref<240x128xf32, #tpu.memory_space<vmem_shared>>) dst(%arg15 : memref<128x128xf32, #tpu.memory_space<vmem>>)
        %mul3A_368 = arith.constant 32 : i32
        %mul3A_369 = arith.muli %add3A_242, %mul3A_368 : i32
        %add3A_370 = arith.addi %add3A, %mul3A_369 : i32
        %mul3A_371 = arith.constant 128 : i32
        %mul3A_372 = arith.muli %add3A_370, %mul3A_371 : i32
        %dma_start3A = arith.constant 0 : i32
        %dma_start3A_373 = tpu.memref_slice %arg5[%mul3A_372, %dma_start3A] : memref<320000x128xf32, #tpu.memory_space<hbm>> -> memref<128x128xf32, #tpu.memory_space<hbm>>
        %dma_start3A_374 = arith.constant 0 : i32
        %dma_start3A_375 = tpu.memref_slice %arg5[%mul3A_372, %dma_start3A_374] : memref<320000x128xf32, #tpu.memory_space<hbm>> -> memref<128x128xf32, #tpu.memory_space<hbm>>
        tpu.enqueue_dma source(%arg15 : memref<128x128xf32, #tpu.memory_space<vmem>>) target(%dma_start3A_375 : memref<128x128xf32, #tpu.memory_space<hbm>>) target_semaphore(%arg40 : memref<!tpu.dma_semaphore, #tpu.memory_space<semaphore_mem>>)
      } else {
      }
      %add3A_261 = arith.constant 3 : i32
      %add3A_262 = arith.addi %add3A_242, %add3A_261 : i32
      %mul3A_263 = arith.constant 32 : i32
      %mul3A_264 = arith.muli %add3A_262, %mul3A_263 : i32
      %add3A_265 = arith.addi %add3A, %mul3A_264 : i32
      %lt3A_266 = arith.constant 2500 : i32
      %lt3A_267 = arith.cmpi slt, %add3A_265, %lt3A_266 : i32
      %convert_element_type3A_268 = arith.extui %lt3A_267 : i1 to i32
      %cond3A_269 = arith.constant 0 : i32
      %cond3A_270 = arith.cmpi ne, %convert_element_type3A_268, %cond3A_269 : i32
      scf.if %cond3A_270 {
        %ge3A = arith.constant 6 : i32
        %ge3A_365 = arith.cmpi sge, %add3A_262, %ge3A : i32
        %convert_element_type3A_366 = arith.extui %ge3A_365 : i1 to i32
        %cond3A_367 = arith.constant 0 : i32
        %cond3A_368 = arith.cmpi ne, %convert_element_type3A_366, %cond3A_367 : i32
        scf.if %cond3A_368 {
          %dma_wait3A_377 = arith.constant 0 : i32
          %dma_wait3A_378 = arith.constant 0 : i32
          %dma_wait3A_379 = tpu.memref_slice %arg5[%dma_wait3A_377, %dma_wait3A_378] : memref<320000x128xf32, #tpu.memory_space<hbm>> -> memref<128x128xf32, #tpu.memory_space<hbm>>
          %dma_wait3A_380 = arith.constant 0 : i32
          %dma_wait3A_381 = arith.constant 0 : i32
          %dma_wait3A_382 = tpu.memref_slice %arg5[%dma_wait3A_380, %dma_wait3A_381] : memref<320000x128xf32, #tpu.memory_space<hbm>> -> memref<128x128xf32, #tpu.memory_space<hbm>>
          tpu.wait_dma2 semaphore(%arg37 : memref<!tpu.dma_semaphore, #tpu.memory_space<semaphore_mem>>) src(%arg12 : memref<128x128xf32, #tpu.memory_space<vmem>>) dst(%dma_wait3A_382 : memref<128x128xf32, #tpu.memory_space<hbm>>)
        } else {
        }
        %mul3A_369 = arith.constant 32 : i32
        %mul3A_370 = arith.muli %add3A_262, %mul3A_369 : i32
        %add3A_371 = arith.addi %add3A, %mul3A_370 : i32
        %mul3A_372 = arith.constant 128 : i32
        %mul3A_373 = arith.muli %add3A_371, %mul3A_372 : i32
        %dma_start3A = arith.constant 0 : i32
        %dma_start3A_374 = tpu.memref_slice %arg2[%mul3A_373, %dma_start3A] : memref<320000x128xf32, #tpu.memory_space<hbm>> -> memref<128x128xf32, #tpu.memory_space<hbm>>
        %dma_start3A_375 = arith.constant 0 : i32
        %dma_start3A_376 = tpu.memref_slice %arg2[%mul3A_373, %dma_start3A_375] : memref<320000x128xf32, #tpu.memory_space<hbm>> -> memref<128x128xf32, #tpu.memory_space<hbm>>
        tpu.enqueue_dma source(%dma_start3A_376 : memref<128x128xf32, #tpu.memory_space<hbm>>) target(%arg12 : memref<128x128xf32, #tpu.memory_space<vmem>>) target_semaphore(%arg25 : memref<!tpu.dma_semaphore, #tpu.memory_space<semaphore_mem>>)
      } else {
      }
      %add3A_271 = arith.constant 6 : i32
      %add3A_272 = arith.addi %add3A_242, %add3A_271 : i32
      %mul3A_273 = arith.constant 32 : i32
      %mul3A_274 = arith.muli %add3A_272, %mul3A_273 : i32
      %add3A_275 = arith.addi %add3A, %mul3A_274 : i32
      %lt3A_276 = arith.constant 2500 : i32
      %lt3A_277 = arith.cmpi slt, %add3A_275, %lt3A_276 : i32
      %convert_element_type3A_278 = arith.extui %lt3A_277 : i1 to i32
      %cond3A_279 = arith.constant 0 : i32
      %cond3A_280 = arith.cmpi ne, %convert_element_type3A_278, %cond3A_279 : i32
      scf.if %cond3A_280 {
        %mul3A_365 = arith.constant 32 : i32
        %mul3A_366 = arith.muli %add3A_272, %mul3A_365 : i32
        %add3A_367 = arith.addi %add3A, %mul3A_366 : i32
        %mul3A_368 = arith.constant 128 : i32
        %mul3A_369 = arith.muli %add3A_367, %mul3A_368 : i32
        %dma_start3A = tpu.memref_slice %arg3[%mul3A_369] : memref<320000xi32, #tpu.memory_space<hbm>> -> memref<128xi32, #tpu.memory_space<hbm>>
        %dma_start3A_370 = tpu.memref_slice %arg3[%mul3A_369] : memref<320000xi32, #tpu.memory_space<hbm>> -> memref<128xi32, #tpu.memory_space<hbm>>
        tpu.enqueue_dma source(%dma_start3A_370 : memref<128xi32, #tpu.memory_space<hbm>>) target(%arg9 : memref<128xi32, #tpu.memory_space<vmem>>) target_semaphore(%arg22 : memref<!tpu.dma_semaphore, #tpu.memory_space<semaphore_mem>>)
      } else {
      }
      %mul3A_281 = arith.constant 6 : i32
      %mul3A_282 = arith.muli %scan3A_112, %mul3A_281 : i32
      %add3A_283 = arith.constant 4 : i32
      %add3A_284 = arith.addi %mul3A_282, %add3A_283 : i32
      %add3A_285 = arith.constant 1 : i32
      %add3A_286 = arith.addi %add3A_284, %add3A_285 : i32
      %mul3A_287 = arith.constant 32 : i32
      %mul3A_288 = arith.muli %add3A_286, %mul3A_287 : i32
      %add3A_289 = arith.addi %add3A, %mul3A_288 : i32
      %lt3A_290 = arith.constant 2500 : i32
      %lt3A_291 = arith.cmpi slt, %add3A_289, %lt3A_290 : i32
      %convert_element_type3A_292 = arith.extui %lt3A_291 : i1 to i32
      %cond3A_293 = arith.constant 0 : i32
      %cond3A_294 = arith.cmpi ne, %convert_element_type3A_292, %cond3A_293 : i32
      scf.if %cond3A_294 {
        %mul3A_365 = arith.constant 32 : i32
        %mul3A_366 = arith.muli %add3A_286, %mul3A_365 : i32
        %add3A_367 = arith.addi %add3A, %mul3A_366 : i32
        %mul3A_368 = arith.constant 128 : i32
        %mul3A_369 = arith.muli %add3A_367, %mul3A_368 : i32
        %dma_wait3A_370 = tpu.memref_slice %arg3[%mul3A_369] : memref<320000xi32, #tpu.memory_space<hbm>> -> memref<128xi32, #tpu.memory_space<hbm>>
        %dma_wait3A_371 = tpu.memref_slice %arg3[%mul3A_369] : memref<320000xi32, #tpu.memory_space<hbm>> -> memref<128xi32, #tpu.memory_space<hbm>>
        tpu.wait_dma2 semaphore(%arg24 : memref<!tpu.dma_semaphore, #tpu.memory_space<semaphore_mem>>) src(%dma_wait3A_371 : memref<128xi32, #tpu.memory_space<hbm>>) dst(%arg11 : memref<128xi32, #tpu.memory_space<vmem>>)
        %mul3A_372 = arith.constant 32 : i32
        %mul3A_373 = arith.muli %add3A_286, %mul3A_372 : i32
        %add3A_374 = arith.addi %add3A, %mul3A_373 : i32
        %mul3A_375 = arith.constant 128 : i32
        %mul3A_376 = arith.muli %add3A_374, %mul3A_375 : i32
        %dma_wait3A_377 = arith.constant 0 : i32
        %dma_wait3A_378 = tpu.memref_slice %arg2[%mul3A_376, %dma_wait3A_377] : memref<320000x128xf32, #tpu.memory_space<hbm>> -> memref<128x128xf32, #tpu.memory_space<hbm>>
        %dma_wait3A_379 = arith.constant 0 : i32
        %dma_wait3A_380 = tpu.memref_slice %arg2[%mul3A_376, %dma_wait3A_379] : memref<320000x128xf32, #tpu.memory_space<hbm>> -> memref<128x128xf32, #tpu.memory_space<hbm>>
        tpu.wait_dma2 semaphore(%arg30 : memref<!tpu.dma_semaphore, #tpu.memory_space<semaphore_mem>>) src(%dma_wait3A_380 : memref<128x128xf32, #tpu.memory_space<hbm>>) dst(%arg17 : memref<128x128xf32, #tpu.memory_space<vmem>>)
        %dma_start3A = arith.constant 0 : i32
        %dma_start3A_381 = arith.constant 0 : i32
        %dma_start3A_382 = tpu.memref_slice %arg18[%dma_start3A, %dma_start3A_381] : memref<240x128xf32, #tpu.memory_space<vmem_shared>> -> memref<240x128xf32, #tpu.memory_space<vmem_shared>>
        tpu.enqueue_indirect_dma source(%dma_start3A_382 : memref<240x128xf32, #tpu.memory_space<vmem_shared>>) target(%arg17 : memref<128x128xf32, #tpu.memory_space<vmem>>) offsets(%arg11 : memref<128xi32, #tpu.memory_space<vmem>>) semaphore(%arg36 : memref<!tpu.dma_semaphore, #tpu.memory_space<semaphore_mem>>) {add = true}
      } else {
      }
      %mul3A_295 = arith.constant 32 : i32
      %mul3A_296 = arith.muli %add3A_284, %mul3A_295 : i32
      %add3A_297 = arith.addi %add3A, %mul3A_296 : i32
      %lt3A_298 = arith.constant 2500 : i32
      %lt3A_299 = arith.cmpi slt, %add3A_297, %lt3A_298 : i32
      %convert_element_type3A_300 = arith.extui %lt3A_299 : i1 to i32
      %cond3A_301 = arith.constant 0 : i32
      %cond3A_302 = arith.cmpi ne, %convert_element_type3A_300, %cond3A_301 : i32
      scf.if %cond3A_302 {
        %dma_wait3A_365 = arith.constant 0 : i32
        %dma_wait3A_366 = arith.constant 0 : i32
        %dma_wait3A_367 = tpu.memref_slice %arg18[%dma_wait3A_365, %dma_wait3A_366] : memref<240x128xf32, #tpu.memory_space<vmem_shared>> -> memref<240x128xf32, #tpu.memory_space<vmem_shared>>
        tpu.wait_indirect_dma semaphore(%arg35 : memref<!tpu.dma_semaphore, #tpu.memory_space<semaphore_mem>>) src(%dma_wait3A_367 : memref<240x128xf32, #tpu.memory_space<vmem_shared>>) dst(%arg16 : memref<128x128xf32, #tpu.memory_space<vmem>>)
        %mul3A_368 = arith.constant 32 : i32
        %mul3A_369 = arith.muli %add3A_284, %mul3A_368 : i32
        %add3A_370 = arith.addi %add3A, %mul3A_369 : i32
        %mul3A_371 = arith.constant 128 : i32
        %mul3A_372 = arith.muli %add3A_370, %mul3A_371 : i32
        %dma_start3A = arith.constant 0 : i32
        %dma_start3A_373 = tpu.memref_slice %arg5[%mul3A_372, %dma_start3A] : memref<320000x128xf32, #tpu.memory_space<hbm>> -> memref<128x128xf32, #tpu.memory_space<hbm>>
        %dma_start3A_374 = arith.constant 0 : i32
        %dma_start3A_375 = tpu.memref_slice %arg5[%mul3A_372, %dma_start3A_374] : memref<320000x128xf32, #tpu.memory_space<hbm>> -> memref<128x128xf32, #tpu.memory_space<hbm>>
        tpu.enqueue_dma source(%arg16 : memref<128x128xf32, #tpu.memory_space<vmem>>) target(%dma_start3A_375 : memref<128x128xf32, #tpu.memory_space<hbm>>) target_semaphore(%arg41 : memref<!tpu.dma_semaphore, #tpu.memory_space<semaphore_mem>>)
      } else {
      }
      %add3A_303 = arith.constant 3 : i32
      %add3A_304 = arith.addi %add3A_284, %add3A_303 : i32
      %mul3A_305 = arith.constant 32 : i32
      %mul3A_306 = arith.muli %add3A_304, %mul3A_305 : i32
      %add3A_307 = arith.addi %add3A, %mul3A_306 : i32
      %lt3A_308 = arith.constant 2500 : i32
      %lt3A_309 = arith.cmpi slt, %add3A_307, %lt3A_308 : i32
      %convert_element_type3A_310 = arith.extui %lt3A_309 : i1 to i32
      %cond3A_311 = arith.constant 0 : i32
      %cond3A_312 = arith.cmpi ne, %convert_element_type3A_310, %cond3A_311 : i32
      scf.if %cond3A_312 {
        %ge3A = arith.constant 6 : i32
        %ge3A_365 = arith.cmpi sge, %add3A_304, %ge3A : i32
        %convert_element_type3A_366 = arith.extui %ge3A_365 : i1 to i32
        %cond3A_367 = arith.constant 0 : i32
        %cond3A_368 = arith.cmpi ne, %convert_element_type3A_366, %cond3A_367 : i32
        scf.if %cond3A_368 {
          %dma_wait3A_377 = arith.constant 0 : i32
          %dma_wait3A_378 = arith.constant 0 : i32
          %dma_wait3A_379 = tpu.memref_slice %arg5[%dma_wait3A_377, %dma_wait3A_378] : memref<320000x128xf32, #tpu.memory_space<hbm>> -> memref<128x128xf32, #tpu.memory_space<hbm>>
          %dma_wait3A_380 = arith.constant 0 : i32
          %dma_wait3A_381 = arith.constant 0 : i32
          %dma_wait3A_382 = tpu.memref_slice %arg5[%dma_wait3A_380, %dma_wait3A_381] : memref<320000x128xf32, #tpu.memory_space<hbm>> -> memref<128x128xf32, #tpu.memory_space<hbm>>
          tpu.wait_dma2 semaphore(%arg38 : memref<!tpu.dma_semaphore, #tpu.memory_space<semaphore_mem>>) src(%arg13 : memref<128x128xf32, #tpu.memory_space<vmem>>) dst(%dma_wait3A_382 : memref<128x128xf32, #tpu.memory_space<hbm>>)
        } else {
        }
        %mul3A_369 = arith.constant 32 : i32
        %mul3A_370 = arith.muli %add3A_304, %mul3A_369 : i32
        %add3A_371 = arith.addi %add3A, %mul3A_370 : i32
        %mul3A_372 = arith.constant 128 : i32
        %mul3A_373 = arith.muli %add3A_371, %mul3A_372 : i32
        %dma_start3A = arith.constant 0 : i32
        %dma_start3A_374 = tpu.memref_slice %arg2[%mul3A_373, %dma_start3A] : memref<320000x128xf32, #tpu.memory_space<hbm>> -> memref<128x128xf32, #tpu.memory_space<hbm>>
        %dma_start3A_375 = arith.constant 0 : i32
        %dma_start3A_376 = tpu.memref_slice %arg2[%mul3A_373, %dma_start3A_375] : memref<320000x128xf32, #tpu.memory_space<hbm>> -> memref<128x128xf32, #tpu.memory_space<hbm>>
        tpu.enqueue_dma source(%dma_start3A_376 : memref<128x128xf32, #tpu.memory_space<hbm>>) target(%arg13 : memref<128x128xf32, #tpu.memory_space<vmem>>) target_semaphore(%arg26 : memref<!tpu.dma_semaphore, #tpu.memory_space<semaphore_mem>>)
      } else {
      }
      %add3A_313 = arith.constant 6 : i32
      %add3A_314 = arith.addi %add3A_284, %add3A_313 : i32
      %mul3A_315 = arith.constant 32 : i32
      %mul3A_316 = arith.muli %add3A_314, %mul3A_315 : i32
      %add3A_317 = arith.addi %add3A, %mul3A_316 : i32
      %lt3A_318 = arith.constant 2500 : i32
      %lt3A_319 = arith.cmpi slt, %add3A_317, %lt3A_318 : i32
      %convert_element_type3A_320 = arith.extui %lt3A_319 : i1 to i32
      %cond3A_321 = arith.constant 0 : i32
      %cond3A_322 = arith.cmpi ne, %convert_element_type3A_320, %cond3A_321 : i32
      scf.if %cond3A_322 {
        %mul3A_365 = arith.constant 32 : i32
        %mul3A_366 = arith.muli %add3A_314, %mul3A_365 : i32
        %add3A_367 = arith.addi %add3A, %mul3A_366 : i32
        %mul3A_368 = arith.constant 128 : i32
        %mul3A_369 = arith.muli %add3A_367, %mul3A_368 : i32
        %dma_start3A = tpu.memref_slice %arg3[%mul3A_369] : memref<320000xi32, #tpu.memory_space<hbm>> -> memref<128xi32, #tpu.memory_space<hbm>>
        %dma_start3A_370 = tpu.memref_slice %arg3[%mul3A_369] : memref<320000xi32, #tpu.memory_space<hbm>> -> memref<128xi32, #tpu.memory_space<hbm>>
        tpu.enqueue_dma source(%dma_start3A_370 : memref<128xi32, #tpu.memory_space<hbm>>) target(%arg10 : memref<128xi32, #tpu.memory_space<vmem>>) target_semaphore(%arg23 : memref<!tpu.dma_semaphore, #tpu.memory_space<semaphore_mem>>)
      } else {
      }
      %mul3A_323 = arith.constant 6 : i32
      %mul3A_324 = arith.muli %scan3A_112, %mul3A_323 : i32
      %add3A_325 = arith.constant 5 : i32
      %add3A_326 = arith.addi %mul3A_324, %add3A_325 : i32
      %add3A_327 = arith.constant 1 : i32
      %add3A_328 = arith.addi %add3A_326, %add3A_327 : i32
      %mul3A_329 = arith.constant 32 : i32
      %mul3A_330 = arith.muli %add3A_328, %mul3A_329 : i32
      %add3A_331 = arith.addi %add3A, %mul3A_330 : i32
      %lt3A_332 = arith.constant 2500 : i32
      %lt3A_333 = arith.cmpi slt, %add3A_331, %lt3A_332 : i32
      %convert_element_type3A_334 = arith.extui %lt3A_333 : i1 to i32
      %cond3A_335 = arith.constant 0 : i32
      %cond3A_336 = arith.cmpi ne, %convert_element_type3A_334, %cond3A_335 : i32
      scf.if %cond3A_336 {
        %mul3A_365 = arith.constant 32 : i32
        %mul3A_366 = arith.muli %add3A_328, %mul3A_365 : i32
        %add3A_367 = arith.addi %add3A, %mul3A_366 : i32
        %mul3A_368 = arith.constant 128 : i32
        %mul3A_369 = arith.muli %add3A_367, %mul3A_368 : i32
        %dma_wait3A_370 = tpu.memref_slice %arg3[%mul3A_369] : memref<320000xi32, #tpu.memory_space<hbm>> -> memref<128xi32, #tpu.memory_space<hbm>>
        %dma_wait3A_371 = tpu.memref_slice %arg3[%mul3A_369] : memref<320000xi32, #tpu.memory_space<hbm>> -> memref<128xi32, #tpu.memory_space<hbm>>
        tpu.wait_dma2 semaphore(%arg19 : memref<!tpu.dma_semaphore, #tpu.memory_space<semaphore_mem>>) src(%dma_wait3A_371 : memref<128xi32, #tpu.memory_space<hbm>>) dst(%arg6 : memref<128xi32, #tpu.memory_space<vmem>>)
        %mul3A_372 = arith.constant 32 : i32
        %mul3A_373 = arith.muli %add3A_328, %mul3A_372 : i32
        %add3A_374 = arith.addi %add3A, %mul3A_373 : i32
        %mul3A_375 = arith.constant 128 : i32
        %mul3A_376 = arith.muli %add3A_374, %mul3A_375 : i32
        %dma_wait3A_377 = arith.constant 0 : i32
        %dma_wait3A_378 = tpu.memref_slice %arg2[%mul3A_376, %dma_wait3A_377] : memref<320000x128xf32, #tpu.memory_space<hbm>> -> memref<128x128xf32, #tpu.memory_space<hbm>>
        %dma_wait3A_379 = arith.constant 0 : i32
        %dma_wait3A_380 = tpu.memref_slice %arg2[%mul3A_376, %dma_wait3A_379] : memref<320000x128xf32, #tpu.memory_space<hbm>> -> memref<128x128xf32, #tpu.memory_space<hbm>>
        tpu.wait_dma2 semaphore(%arg25 : memref<!tpu.dma_semaphore, #tpu.memory_space<semaphore_mem>>) src(%dma_wait3A_380 : memref<128x128xf32, #tpu.memory_space<hbm>>) dst(%arg12 : memref<128x128xf32, #tpu.memory_space<vmem>>)
        %dma_start3A = arith.constant 0 : i32
        %dma_start3A_381 = arith.constant 0 : i32
        %dma_start3A_382 = tpu.memref_slice %arg18[%dma_start3A, %dma_start3A_381] : memref<240x128xf32, #tpu.memory_space<vmem_shared>> -> memref<240x128xf32, #tpu.memory_space<vmem_shared>>
        tpu.enqueue_indirect_dma source(%dma_start3A_382 : memref<240x128xf32, #tpu.memory_space<vmem_shared>>) target(%arg12 : memref<128x128xf32, #tpu.memory_space<vmem>>) offsets(%arg6 : memref<128xi32, #tpu.memory_space<vmem>>) semaphore(%arg31 : memref<!tpu.dma_semaphore, #tpu.memory_space<semaphore_mem>>) {add = true}
      } else {
      }
      %mul3A_337 = arith.constant 32 : i32
      %mul3A_338 = arith.muli %add3A_326, %mul3A_337 : i32
      %add3A_339 = arith.addi %add3A, %mul3A_338 : i32
      %lt3A_340 = arith.constant 2500 : i32
      %lt3A_341 = arith.cmpi slt, %add3A_339, %lt3A_340 : i32
      %convert_element_type3A_342 = arith.extui %lt3A_341 : i1 to i32
      %cond3A_343 = arith.constant 0 : i32
      %cond3A_344 = arith.cmpi ne, %convert_element_type3A_342, %cond3A_343 : i32
      scf.if %cond3A_344 {
        %dma_wait3A_365 = arith.constant 0 : i32
        %dma_wait3A_366 = arith.constant 0 : i32
        %dma_wait3A_367 = tpu.memref_slice %arg18[%dma_wait3A_365, %dma_wait3A_366] : memref<240x128xf32, #tpu.memory_space<vmem_shared>> -> memref<240x128xf32, #tpu.memory_space<vmem_shared>>
        tpu.wait_indirect_dma semaphore(%arg36 : memref<!tpu.dma_semaphore, #tpu.memory_space<semaphore_mem>>) src(%dma_wait3A_367 : memref<240x128xf32, #tpu.memory_space<vmem_shared>>) dst(%arg17 : memref<128x128xf32, #tpu.memory_space<vmem>>)
        %mul3A_368 = arith.constant 32 : i32
        %mul3A_369 = arith.muli %add3A_326, %mul3A_368 : i32
        %add3A_370 = arith.addi %add3A, %mul3A_369 : i32
        %mul3A_371 = arith.constant 128 : i32
        %mul3A_372 = arith.muli %add3A_370, %mul3A_371 : i32
        %dma_start3A = arith.constant 0 : i32
        %dma_start3A_373 = tpu.memref_slice %arg5[%mul3A_372, %dma_start3A] : memref<320000x128xf32, #tpu.memory_space<hbm>> -> memref<128x128xf32, #tpu.memory_space<hbm>>
        %dma_start3A_374 = arith.constant 0 : i32
        %dma_start3A_375 = tpu.memref_slice %arg5[%mul3A_372, %dma_start3A_374] : memref<320000x128xf32, #tpu.memory_space<hbm>> -> memref<128x128xf32, #tpu.memory_space<hbm>>
        tpu.enqueue_dma source(%arg17 : memref<128x128xf32, #tpu.memory_space<vmem>>) target(%dma_start3A_375 : memref<128x128xf32, #tpu.memory_space<hbm>>) target_semaphore(%arg42 : memref<!tpu.dma_semaphore, #tpu.memory_space<semaphore_mem>>)
      } else {
      }
      %add3A_345 = arith.constant 3 : i32
      %add3A_346 = arith.addi %add3A_326, %add3A_345 : i32
      %mul3A_347 = arith.constant 32 : i32
      %mul3A_348 = arith.muli %add3A_346, %mul3A_347 : i32
      %add3A_349 = arith.addi %add3A, %mul3A_348 : i32
      %lt3A_350 = arith.constant 2500 : i32
      %lt3A_351 = arith.cmpi slt, %add3A_349, %lt3A_350 : i32
      %convert_element_type3A_352 = arith.extui %lt3A_351 : i1 to i32
      %cond3A_353 = arith.constant 0 : i32
      %cond3A_354 = arith.cmpi ne, %convert_element_type3A_352, %cond3A_353 : i32
      scf.if %cond3A_354 {
        %ge3A = arith.constant 6 : i32
        %ge3A_365 = arith.cmpi sge, %add3A_346, %ge3A : i32
        %convert_element_type3A_366 = arith.extui %ge3A_365 : i1 to i32
        %cond3A_367 = arith.constant 0 : i32
        %cond3A_368 = arith.cmpi ne, %convert_element_type3A_366, %cond3A_367 : i32
        scf.if %cond3A_368 {
          %dma_wait3A_377 = arith.constant 0 : i32
          %dma_wait3A_378 = arith.constant 0 : i32
          %dma_wait3A_379 = tpu.memref_slice %arg5[%dma_wait3A_377, %dma_wait3A_378] : memref<320000x128xf32, #tpu.memory_space<hbm>> -> memref<128x128xf32, #tpu.memory_space<hbm>>
          %dma_wait3A_380 = arith.constant 0 : i32
          %dma_wait3A_381 = arith.constant 0 : i32
          %dma_wait3A_382 = tpu.memref_slice %arg5[%dma_wait3A_380, %dma_wait3A_381] : memref<320000x128xf32, #tpu.memory_space<hbm>> -> memref<128x128xf32, #tpu.memory_space<hbm>>
          tpu.wait_dma2 semaphore(%arg39 : memref<!tpu.dma_semaphore, #tpu.memory_space<semaphore_mem>>) src(%arg14 : memref<128x128xf32, #tpu.memory_space<vmem>>) dst(%dma_wait3A_382 : memref<128x128xf32, #tpu.memory_space<hbm>>)
        } else {
        }
        %mul3A_369 = arith.constant 32 : i32
        %mul3A_370 = arith.muli %add3A_346, %mul3A_369 : i32
        %add3A_371 = arith.addi %add3A, %mul3A_370 : i32
        %mul3A_372 = arith.constant 128 : i32
        %mul3A_373 = arith.muli %add3A_371, %mul3A_372 : i32
        %dma_start3A = arith.constant 0 : i32
        %dma_start3A_374 = tpu.memref_slice %arg2[%mul3A_373, %dma_start3A] : memref<320000x128xf32, #tpu.memory_space<hbm>> -> memref<128x128xf32, #tpu.memory_space<hbm>>
        %dma_start3A_375 = arith.constant 0 : i32
        %dma_start3A_376 = tpu.memref_slice %arg2[%mul3A_373, %dma_start3A_375] : memref<320000x128xf32, #tpu.memory_space<hbm>> -> memref<128x128xf32, #tpu.memory_space<hbm>>
        tpu.enqueue_dma source(%dma_start3A_376 : memref<128x128xf32, #tpu.memory_space<hbm>>) target(%arg14 : memref<128x128xf32, #tpu.memory_space<vmem>>) target_semaphore(%arg27 : memref<!tpu.dma_semaphore, #tpu.memory_space<semaphore_mem>>)
      } else {
      }
      %add3A_355 = arith.constant 6 : i32
      %add3A_356 = arith.addi %add3A_326, %add3A_355 : i32
      %mul3A_357 = arith.constant 32 : i32
      %mul3A_358 = arith.muli %add3A_356, %mul3A_357 : i32
      %add3A_359 = arith.addi %add3A, %mul3A_358 : i32
      %lt3A_360 = arith.constant 2500 : i32
      %lt3A_361 = arith.cmpi slt, %add3A_359, %lt3A_360 : i32
      %convert_element_type3A_362 = arith.extui %lt3A_361 : i1 to i32
      %cond3A_363 = arith.constant 0 : i32
      %cond3A_364 = arith.cmpi ne, %convert_element_type3A_362, %cond3A_363 : i32
      scf.if %cond3A_364 {
        %mul3A_365 = arith.constant 32 : i32
        %mul3A_366 = arith.muli %add3A_356, %mul3A_365 : i32
        %add3A_367 = arith.addi %add3A, %mul3A_366 : i32
        %mul3A_368 = arith.constant 128 : i32
        %mul3A_369 = arith.muli %add3A_367, %mul3A_368 : i32
        %dma_start3A = tpu.memref_slice %arg3[%mul3A_369] : memref<320000xi32, #tpu.memory_space<hbm>> -> memref<128xi32, #tpu.memory_space<hbm>>
        %dma_start3A_370 = tpu.memref_slice %arg3[%mul3A_369] : memref<320000xi32, #tpu.memory_space<hbm>> -> memref<128xi32, #tpu.memory_space<hbm>>
        tpu.enqueue_dma source(%dma_start3A_370 : memref<128xi32, #tpu.memory_space<hbm>>) target(%arg11 : memref<128xi32, #tpu.memory_space<vmem>>) target_semaphore(%arg24 : memref<!tpu.dma_semaphore, #tpu.memory_space<semaphore_mem>>)
      } else {
      }
    }
    %scan3A_76 = arith.constant 14 : i32
    %dma_wait3A = arith.constant 0 : i32
    %dma_wait3A_77 = arith.constant 0 : i32
    %dma_wait3A_78 = tpu.memref_slice %arg5[%dma_wait3A, %dma_wait3A_77] : memref<320000x128xf32, #tpu.memory_space<hbm>> -> memref<128x128xf32, #tpu.memory_space<hbm>>
    %dma_wait3A_79 = arith.constant 0 : i32
    %dma_wait3A_80 = arith.constant 0 : i32
    %dma_wait3A_81 = tpu.memref_slice %arg5[%dma_wait3A_79, %dma_wait3A_80] : memref<320000x128xf32, #tpu.memory_space<hbm>> -> memref<128x128xf32, #tpu.memory_space<hbm>>
    tpu.wait_dma2 semaphore(%arg37 : memref<!tpu.dma_semaphore, #tpu.memory_space<semaphore_mem>>) src(%arg12 : memref<128x128xf32, #tpu.memory_space<vmem>>) dst(%dma_wait3A_81 : memref<128x128xf32, #tpu.memory_space<hbm>>)
    %dma_wait3A_82 = arith.constant 0 : i32
    %dma_wait3A_83 = arith.constant 0 : i32
    %dma_wait3A_84 = tpu.memref_slice %arg5[%dma_wait3A_82, %dma_wait3A_83] : memref<320000x128xf32, #tpu.memory_space<hbm>> -> memref<128x128xf32, #tpu.memory_space<hbm>>
    %dma_wait3A_85 = arith.constant 0 : i32
    %dma_wait3A_86 = arith.constant 0 : i32
    %dma_wait3A_87 = tpu.memref_slice %arg5[%dma_wait3A_85, %dma_wait3A_86] : memref<320000x128xf32, #tpu.memory_space<hbm>> -> memref<128x128xf32, #tpu.memory_space<hbm>>
    tpu.wait_dma2 semaphore(%arg38 : memref<!tpu.dma_semaphore, #tpu.memory_space<semaphore_mem>>) src(%arg13 : memref<128x128xf32, #tpu.memory_space<vmem>>) dst(%dma_wait3A_87 : memref<128x128xf32, #tpu.memory_space<hbm>>)
    %dma_wait3A_88 = arith.constant 0 : i32
    %dma_wait3A_89 = arith.constant 0 : i32
    %dma_wait3A_90 = tpu.memref_slice %arg5[%dma_wait3A_88, %dma_wait3A_89] : memref<320000x128xf32, #tpu.memory_space<hbm>> -> memref<128x128xf32, #tpu.memory_space<hbm>>
    %dma_wait3A_91 = arith.constant 0 : i32
    %dma_wait3A_92 = arith.constant 0 : i32
    %dma_wait3A_93 = tpu.memref_slice %arg5[%dma_wait3A_91, %dma_wait3A_92] : memref<320000x128xf32, #tpu.memory_space<hbm>> -> memref<128x128xf32, #tpu.memory_space<hbm>>
    tpu.wait_dma2 semaphore(%arg39 : memref<!tpu.dma_semaphore, #tpu.memory_space<semaphore_mem>>) src(%arg14 : memref<128x128xf32, #tpu.memory_space<vmem>>) dst(%dma_wait3A_93 : memref<128x128xf32, #tpu.memory_space<hbm>>)
    %dma_wait3A_94 = arith.constant 0 : i32
    %dma_wait3A_95 = arith.constant 0 : i32
    %dma_wait3A_96 = tpu.memref_slice %arg5[%dma_wait3A_94, %dma_wait3A_95] : memref<320000x128xf32, #tpu.memory_space<hbm>> -> memref<128x128xf32, #tpu.memory_space<hbm>>
    %dma_wait3A_97 = arith.constant 0 : i32
    %dma_wait3A_98 = arith.constant 0 : i32
    %dma_wait3A_99 = tpu.memref_slice %arg5[%dma_wait3A_97, %dma_wait3A_98] : memref<320000x128xf32, #tpu.memory_space<hbm>> -> memref<128x128xf32, #tpu.memory_space<hbm>>
    tpu.wait_dma2 semaphore(%arg40 : memref<!tpu.dma_semaphore, #tpu.memory_space<semaphore_mem>>) src(%arg15 : memref<128x128xf32, #tpu.memory_space<vmem>>) dst(%dma_wait3A_99 : memref<128x128xf32, #tpu.memory_space<hbm>>)
    %dma_wait3A_100 = arith.constant 0 : i32
    %dma_wait3A_101 = arith.constant 0 : i32
    %dma_wait3A_102 = tpu.memref_slice %arg5[%dma_wait3A_100, %dma_wait3A_101] : memref<320000x128xf32, #tpu.memory_space<hbm>> -> memref<128x128xf32, #tpu.memory_space<hbm>>
    %dma_wait3A_103 = arith.constant 0 : i32
    %dma_wait3A_104 = arith.constant 0 : i32
    %dma_wait3A_105 = tpu.memref_slice %arg5[%dma_wait3A_103, %dma_wait3A_104] : memref<320000x128xf32, #tpu.memory_space<hbm>> -> memref<128x128xf32, #tpu.memory_space<hbm>>
    tpu.wait_dma2 semaphore(%arg41 : memref<!tpu.dma_semaphore, #tpu.memory_space<semaphore_mem>>) src(%arg16 : memref<128x128xf32, #tpu.memory_space<vmem>>) dst(%dma_wait3A_105 : memref<128x128xf32, #tpu.memory_space<hbm>>)
    %dma_wait3A_106 = arith.constant 0 : i32
    %dma_wait3A_107 = arith.constant 0 : i32
    %dma_wait3A_108 = tpu.memref_slice %arg5[%dma_wait3A_106, %dma_wait3A_107] : memref<320000x128xf32, #tpu.memory_space<hbm>> -> memref<128x128xf32, #tpu.memory_space<hbm>>
    %dma_wait3A_109 = arith.constant 0 : i32
    %dma_wait3A_110 = arith.constant 0 : i32
    %dma_wait3A_111 = tpu.memref_slice %arg5[%dma_wait3A_109, %dma_wait3A_110] : memref<320000x128xf32, #tpu.memory_space<hbm>> -> memref<128x128xf32, #tpu.memory_space<hbm>>
    tpu.wait_dma2 semaphore(%arg42 : memref<!tpu.dma_semaphore, #tpu.memory_space<semaphore_mem>>) src(%arg17 : memref<128x128xf32, #tpu.memory_space<vmem>>) dst(%dma_wait3A_111 : memref<128x128xf32, #tpu.memory_space<hbm>>)
    return
  }
}

module attributes {stable_mosaic.version = 14 : i64} {
  func.func @_proj_table_body(%arg0: memref<240x128xf32, #tpu.memory_space<vmem>>, %arg1: memref<128x128xf32, #tpu.memory_space<vmem>>, %arg2: memref<1x128xf32, #tpu.memory_space<vmem>>, %arg3: memref<240x128xf32, #tpu.memory_space<vmem>>) attributes {dimension_semantics = [], scalar_prefetch = 0 : i64, scratch_operands = 0 : i64, tpu.core_type = #tpu.core_type<tc>} {
    %get3A = arith.constant 0 : index
    %get3A_0 = arith.constant 0 : index
    %get3A_1 = vector.load %arg0[%get3A, %get3A_0] : memref<240x128xf32, #tpu.memory_space<vmem>>, vector<240x128xf32>
    %get3A_2 = arith.constant 0 : index
    %get3A_3 = arith.constant 0 : index
    %get3A_4 = vector.load %arg1[%get3A_2, %get3A_3] : memref<128x128xf32, #tpu.memory_space<vmem>>, vector<128x128xf32>
    %dot_general3A = arith.constant dense<0.000000e+00> : vector<240x128xf32>
    %dot_general3A_5 = tpu.matmul %get3A_1, %get3A_4, %dot_general3A {dimension_numbers = #tpu.dot_dimension_numbers<[1], [1], [0], [0], [0, 0, 1, 0], [], []>, transpose_lhs_hint = false} : vector<240x128xf32>, vector<128x128xf32>, vector<240x128xf32> -> vector<240x128xf32>
    %get3A_6 = arith.constant 0 : index
    %get3A_7 = arith.constant 0 : index
    %get3A_8 = vector.load %arg2[%get3A_6, %get3A_7] : memref<1x128xf32, #tpu.memory_space<vmem>>, vector<1x128xf32>
    %add3A = vector.broadcast %get3A_8 : vector<1x128xf32> to vector<240x128xf32>
    %add3A_9 = arith.addf %dot_general3A_5, %add3A : vector<240x128xf32>
    %swap3A = arith.constant 0 : index
    %swap3A_10 = arith.constant 0 : index
    %swap3A_11 = vector.load %arg3[%swap3A, %swap3A_10] : memref<240x128xf32, #tpu.memory_space<vmem>>, vector<240x128xf32>
    tpu.vector_store %arg3[%swap3A, %swap3A_10], %add3A_9 {strides = array<i32>} : memref<240x128xf32, #tpu.memory_space<vmem>>, vector<240x128xf32>,
    return
  }
}

</mosaic_0001>

<sc_bundles>
// kernel: kernel.4.cloned.1.call-start
scs
__scs_entry_jumppad:
0x0: {  	(pc) =	sbr.rel $0x88, $3  }
0x1: {  	(tag) =	ssettag $0x0;
	lr =	simm.s32 $0x1  }
0x2: {  	[smem:$0x3F9C] =	sst lr;
	_ =	strace $0xD0000000  }
0x3: {  	_ = 	snop  }
0x4: {  	_ = 	snop  }
0x5: {  	_ = 	snop  }
0x6: {  	_ = 	snop  }
0x7: {  	_ = 	snop  }
__scs_overlays_trampoline_lowered:
0x8: {  	[smem:$0x3FAB] =	sst s0  }
0x9: {  	[smem:$0x3FAC] =	sst s1  }
0xa: {  	[smem:$0x3FAD] =	sst s2  }
0xb: {  	[smem:$0x3FAE] =	sst s3  }
0xc: {  	[smem:$0x3FAF] =	sst s4  }
0xd: {  	[smem:$0x3FB0] =	sst s5  }
0xe: {  	[smem:$0x3FB1] =	sst s6  }
0xf: {  	[smem:$0x3FB2] =	sst s7  }
0x10: {  	[smem:$0x3FB3] =	sst s8  }
0x11: {  	[smem:$0x3FB4] =	sst s9;
	s0 =	simm.s32 @!p0 $0x0  }
0x12: {  	s1 =	sld [smem:$0x3F9A];
	s0 =	simm.s32 @p0 $0x1  }
0x13: {  	[smem:$0x3FB5] =	sst s0;
	s0 =	simm.s32 @!p1 $0x0  }
0x14: {  	s2 =	sld [smem:$0x3F99];
	s0 =	simm.s32 @p1 $0x1  }
0x15: {  	[smem:$0x3FB6] =	sst s0;
	s0 =	simm.s32 @!p2 $0x0  }
0x16: {  	s3 =	sld [smem:$0x3FDB];
	s0 =	simm.s32 @p2 $0x1  }
0x17: {  	s4 =	simm.s32 $0x1BF5;
	[smem:$0x3FB8] =	sst s0  }
0x18: {  	s0 =	sld [smem:$0x3F9B];
	_ =	swait.ge [sflag:s4], $0x0  }
0x19: {  	s7 =	sld [smem:$0x3F9C]  }
0x1a: {  	s8 =	sadd.s32 $0xFFFFE003, lr  }
0x1b: {  	s9 =	sadd.s32 $0xFFFFFEF7, lr;
	s5 =	simm.s32 $0xFFFFFFFF;
	p2 =	slt.u32 s8, $0xFFFFF086  }
0x1c: {  	p1 =	slt.u32 s9, $0xF7A;
	s5 =	simm.s32 @!p2 $0x0  }
0x1d: {  	s5 =	simm.s32 @p1 $0x1;
	p0 =	seq.s32 s7, s2  }
0x1e: {  	s7 =	smul.u32 @!p0 $0xF7A, s2;
	p2 =	seq.s32 @!p0 s5, $0x0  }
0x1f: {  	s9 =	smul.u32 $0xF7A, s1;
	s8 =	simm.s32 @!p0 $0x1BF5;
	p2 =	por !p2, p0  }
0x20: {  	[sflag:s8] =	ssyncset.s32 @!p0 $0xFFFFF086;
	s6 =	sadd.s32 @!p0 s3, s7;
	s7 =	simm.s32 @!p0 $0x108  }
0x21: {  	s3 =	sadd.s32 s3, s9;
	s6 =	sadd.s32 @!p0 $0x88, s6;
	s7 =	simm.s32 @p2 $0x1082  }
0x22: {  	[simem:s7], [sflag:s8] =	dma.local @!p0 [hbm:s6], $0xF7A  }
0x23: {  	s9 =	sor.u32 $0xD0000000, s2;
	s6 =	simm.s32 $0x108;
	_ =	swait.ge @!p0 [sflag:s8], $0x0  }
0x24: {  	s3 =	sadd.s32 $0x88, s3;
	s6 =	simm.s32 @!p1 $0x1082;
	[sflag:s4] =	ssyncset.s32 $0xFFFFF086  }
0x25: {  	[simem:s6], [sflag:s4] =	dma.local [hbm:s3], $0xF7A  }
0x26: {  	[smem:$0x3F9C] =	sst s1;
	(tag) =	ssettag s2;
	_ =	strace s9  }
0x27: {  	s1 =	sld [smem:$0x3FAC]  }
0x28: {  	s2 =	sld [smem:$0x3FAD]  }
0x29: {  	s4 =	sld [smem:$0x3FAF]  }
0x2a: {  	p0 =	seq.s32 s5, $0x0;
	s5 =	sld [smem:$0x3FB0]  }
0x2b: {  	s6 =	sld [smem:$0x3FB1]  }
0x2c: {  	s7 =	sld [smem:$0x3FB2]  }
0x2d: {  	s3 =	simm.s32 $0x108;
	s8 =	sld [smem:$0x3FB3]  }
0x2e: {  	s3 =	simm.s32 @!p0 $0x1082;
	s9 =	sld [smem:$0x3FB4]  }
0x2f: {  	lr =	sadd.s32 s0, s3;
	s0 =	sld [smem:$0x3FAB]  }
0x30: {  	s3 =	sld [smem:$0x3FAE]  }
0x31: {  	[smem:$0x3FB7] =	sst s10  }
0x32: {  	s10 =	sld [smem:$0x3FB5];
	_ =	sdelay $0x3  }
0x33: {  	p0 =	seq.s32 s10, $0x1;
	s10 =	sld [smem:$0x3FB7];
	_ =	sdelay $0x3  }
0x34: {  	[smem:$0x3FB7] =	sst s10  }
0x35: {  	s10 =	sld [smem:$0x3FB6];
	_ =	sdelay $0x3  }
0x36: {  	p1 =	seq.s32 s10, $0x1;
	s10 =	sld [smem:$0x3FB7];
	_ =	sdelay $0x3  }
0x37: {  	[smem:$0x3FB7] =	sst s10  }
0x38: {  	s10 =	sld [smem:$0x3FB8]  }
0x39: {  	_ = 	snop;
	(pc) =	sbr.ind lr, $3  }
0x3a: {  	_ = 	snop  }
0x3b: {  	_ = 	snop  }
0x3c: {  	p2 =	seq.s32 s10, $0x1;
	s10 =	sld [smem:$0x3FB7]  }
0x3d: {  	_ =	shalt  }
0x3e: {  	_ =	shalt  }
0x3f: {  	_ =	shalt  }
0x40: {  	_ =	shalt  }
0x41: {  	_ =	shalt  }
0x42: {  	_ =	shalt  }
0x43: {  	_ =	shalt  }
0x44: {  	_ =	shalt  }
0x45: {  	_ =	shalt  }
0x46: {  	_ =	shalt  }
0x47: {  	_ =	shalt  }
0x48: {  	_ =	shalt  }
0x49: {  	_ =	shalt  }
0x4a: {  	_ =	shalt  }
0x4b: {  	_ =	shalt  }
0x4c: {  	_ =	shalt  }
0x4d: {  	_ =	shalt  }
0x4e: {  	_ =	shalt  }
0x4f: {  	_ =	shalt  }
0x50: {  	_ =	shalt  }
0x51: {  	_ =	shalt  }
0x52: {  	_ =	shalt  }
0x53: {  	_ =	shalt  }
0x54: {  	_ =	shalt  }
0x55: {  	_ =	shalt  }
0x56: {  	_ =	shalt  }
0x57: {  	_ =	shalt  }
0x58: {  	_ =	shalt  }
0x59: {  	_ =	shalt  }
0x5a: {  	_ =	shalt  }
0x5b: {  	_ =	shalt  }
0x5c: {  	_ =	shalt  }
0x5d: {  	_ =	shalt  }
0x5e: {  	_ =	shalt  }
0x5f: {  	_ =	shalt  }
0x60: {  	_ =	shalt  }
0x61: {  	_ =	shalt  }
0x62: {  	_ =	shalt  }
0x63: {  	_ =	shalt  }
0x64: {  	_ =	shalt  }
0x65: {  	_ =	shalt  }
0x66: {  	_ =	shalt  }
0x67: {  	_ =	shalt  }
0x68: {  	_ =	shalt  }
0x69: {  	_ =	shalt  }
0x6a: {  	_ =	shalt  }
0x6b: {  	_ =	shalt  }
0x6c: {  	_ =	shalt  }
0x6d: {  	_ =	shalt  }
0x6e: {  	_ =	shalt  }
0x6f: {  	_ =	shalt  }
0x70: {  	_ =	shalt  }
0x71: {  	_ =	shalt  }
0x72: {  	_ =	shalt  }
0x73: {  	_ =	shalt  }
0x74: {  	_ =	shalt  }
0x75: {  	_ =	shalt  }
0x76: {  	_ =	shalt  }
0x77: {  	_ =	shalt  }
0x78: {  	_ =	shalt  }
0x79: {  	_ =	shalt  }
0x7a: {  	_ =	shalt  }
0x7b: {  	_ =	shalt  }
0x7c: {  	_ =	shalt  }
0x7d: {  	_ =	shalt  }
0x7e: {  	_ =	shalt  }
0x7f: {  	_ =	shalt  }
0x80: {  	_ =	shalt  }
0x81: {  	_ =	shalt  }
0x82: {  	_ =	shalt  }
0x83: {  	_ =	shalt  }
0x84: {  	_ =	shalt  }
0x85: {  	_ =	shalt  }
0x86: {  	_ =	shalt  }
0x87: {  	_ =	shalt  }
.Lfunc_end0:
.L_simem_size_0:
called_computation_lowered:
.L_overlay_start_0:
0x88: {  	s2 =	sld [smem:$0x3FD9]  }
0x89: {  	s3 =	sld [smem:$0x3FFE];
	_ =	sdelay $0x1  }
0x8a: {  	s1 =	srdreg.scid  }
0x8b: {  	s0 =	sand.u32 $0x1, s1  }
0x8c: {  	s17 =	sshll.u32 s0, $0xA;
	s2 =	sadd.s32 s3, s2  }
0x8d: {  	s2 =	sadd.s32 s2, s17  }
0x8e: {  	[smem:$0x3FC3] =	sst s2  }
0x8f: {  	_ = 	snop  }
0x90: {  	s2 =	sld [smem:$0x3FC9]  }
0x91: {  	s18 =	sld [smem:$0x3FC8]  }
0x92: {  	s4 =	sld [smem:$0x3FD0];
	(tm) =	ssettm $0x1  }
0x93: {  	s5 =	sld [smem:$0x3FFB];
	_ =	sdelay $0x3  }
0x94: {  	_ =	strace s5  }
0x95: {  	s5 =	sld [smem:$0x3FFC];
	_ =	sdelay $0x3  }
0x96: {  	_ =	strace s5  }
0x97: {  	s5 =	sld [smem:$0x3FFD];
	_ =	sdelay $0x3  }
0x98: {  	_ =	strace s5  }
0x99: {  	_ =	strace $0x8FFFFFFF  }
0x9a: {  	s19 =	sld [smem:$0x3FDB];
	_ =	sdelay $0x1  }
0x9b: {  	s6 =	simm.s32 $_scs_section_size  }
0x9c: {  	s7 =	simm.s32 $_size__tile_overlayer_lowered;
	s8 =	simm.s32 $_tile_overlayer_lowered  }
0x9d: {  	s22 =	simm.s32 $0x1BFF;
	s21 =	sshll.u32 s8, $0x1;
	s5 =	sadd.s32 s6, s19  }
0x9e: {  	s9 =	simm.s32 $0x0;
	s20 =	sshll.u32 s7, $0x1;
	s7 =	sadd.s32 s21, s5  }
0x9f: {  	[timem:s9], [sflag:s22] =	dma.local [hbm:s7], s20  }
0xa0: {  	_ =	swait.ge [sflag:s22], s20  }
0xa1: {  	s6 =	ssub.s32 $0x0, s20;
	[sflag:s22] =	ssyncset.done $0x0  }
0xa2: {  	[sflag:s22] =	ssyncadd.s32 s6;
	_ =	sdelay $0x1  }
0xa3: {  	s23 =	simm.s32 $0x1B8B  }
0xa4: {  	_ =	swait.ge [sflag:s23], $0x1  }
0xa5: {  	[sflag:s23] =	ssyncset.done $0x0  }
0xa6: {  	s25 =	simm.s32 $0x1B8E;
	s24 =	sld [smem:$0x3FFE];
	[sflag:s23] =	ssyncadd.s32 $0xFFFFFFFF  }
0xa7: {  	s26 =	simm.s32 $execute0_lowered;
	[smem:$0x3FD2] =	sst s25  }
0xa8: {  	s7 =	sshll.u32 s26, $0x1;
	_ =	strace $0x80000046;
	[dreg:$0x1] =	wrdreg $0xFFFFFFFF  }
0xa9: {  	s28 =	simm.s32 $_size_execute0_lowered;
	s5 =	sadd.s32 s5, s7;
	[dreg:$0x0] =	wrdreg $0x0  }
0xaa: {  	s7 =	sshll.u32 s28, $0x1;
	[dreg:$0x2] =	wrdreg s5  }
0xab: {  	[dreg:$0x3] =	wrdreg s7  }
0xac: {  	[dreg:$0x4] =	wrdreg $0xC0  }
0xad: {  	_ =	task [dreg:s9], $0x5FFFF  }
0xae: {  	[dreg:$0x1] =	wrdreg $0xFFFFFFFF  }
0xaf: {  	[dreg:$0x0] =	wrdreg $0x60  }
0xb0: {  	[dreg:$0x2] =	wrdreg s2  }
0xb1: {  	[dreg:$0x3] =	wrdreg s18  }
0xb2: {  	[dreg:$0x4] =	wrdreg s24  }
0xb3: {  	[dreg:$0x5] =	wrdreg s4  }
0xb4: {  	[dreg:$0x6] =	wrdreg $0x183000  }
0xb5: {  	[dreg:$0x7] =	wrdreg $0x9  }
0xb6: {  	_ =	task.clear_ibuf [dreg:s9], $0x8FFFF;
	_ =	strace $0x90000046  }
0xb7: {  	s29 =	simm.s32 $0x9;
	_ =	strace $0x80000048  }
0xb8: {  	_ =	swait.ge [sflag:s29], $0x1  }
0xb9: {  	[sflag:s29] =	ssyncadd.s32 $0xFFFFFFFF  }
0xba: {  	_ =	strace $0x90000048  }
0xbb: {  	_ =	sfence  }
0xbc: {  	s30 =	sld [smem:$0x0];
	_ =	sdelay $0x2  }
0xbd: {  	s31 =	sshll.u32 s1, $0xD;
	s1 =	sshrl.u32 s1, $0x2  }
0xbe: {  	s3 =	sand.u32 $0x4000, s31;
	s1 =	sadd.s32 s1, s30  }
0xbf: {  	s0 =	sor.u32 s3, s0;
	s1 =	sshll.u32 s1, $0x11  }
0xc0: {  	s0 =	sor.u32 s1, s0  }
0xc1: {  	s0 =	sadd.s32 $0x8F2B, s0  }
0xc2: {  	[sflag:s0] =	ssyncadd.remote.s32 $0x1  }
0xc3: {  	_ =	sfence.sel $0xFFFF  }
0xc4: {  	[dreg:$0x0] =	wrdreg $0xFFFFFFFF;
	(pc) =	sbr.abs _section_cstart, $3  }
0xc5: {  	[dreg:$0x1] =	wrdreg $0xFFFFFFFF  }
0xc6: {  	_ =	task.clear_ibuf [dreg:s9], $0x2FFFF;
	_ =	strace $0x9FFFFFFF  }
0xc7: {  	(tm) =	ssettm $0x7FFFFFFF  }
tec
execute0_lowered:
.L_overlay_start_1:
0x0: {  	(tag) =	ssettag $0x1  }
0x1: {  	s0 =	rddreg [dreg:$0x0]  }
0x2: {  	s2 =	rddreg [dreg:$0x1]  }
0x3: {  	s3 =	rddreg [dreg:$0x2]  }
0x4: {  	s4 =	rddreg [dreg:$0x3]  }
0x5: {  	s1 =	simm.s32 $0x0;
	s5 =	srdreg.scid;
	s6 =	stileid.u32  }
0x6: {  	[smem:$0x7FF] =	sst s1;
	s5 =	sand.u32 $0x1, s5;
	s8 =	sshll.u32 s6, $0x1  }
0x7: {  	s15 =	sadd.s32 $0xC00, s3;
	s26 =	sshll.u32 s6, $0xC;
	s28 =	sshll.u32 s6, $0x5  }
0x8: {  	_ =	strace $0x80000047;
	s7 =	ssub.s32 $0x2, s5;
	[dreg:$0x9] =	wrdreg s15  }
0x9: {  	s17 =	sor.u32 s5, s8;
	s4 =	sadd.s32 s26, s4;
	s29 =	sshll.u32 s5, $0x4  }
0xa: {  	s5 =	sshll.u32 s5, $0xB;
	s18 =	sor.u32 $0x20, s17;
	s8 =	sor.u32 $0x40, s17  }
0xb: {  	s9 =	sshll.u32 s17, $0x4;
	[dreg:$0xa] =	wrdreg s17;
	s30 =	sadd.s32 s5, s4  }
0xc: {  	s22 =	sshll.u32 s17, $0xB;
	s9 =	sadd.s32 s2, s9;
	[dreg:$0x6] =	wrdreg s30  }
0xd: {  	s10 =	sshll.u32 s18, $0x4;
	s1 =	sadd.s32 s0, s22;
	[dreg:$0xb] =	wrdreg s9  }
0xe: {  	s11 =	sshll.u32 s8, $0x4;
	s10 =	sadd.s32 s2, s10;
	[dreg:$0x11] =	wrdreg s1  }
0xf: {  	p0 =	sne.s32 s6, $0x0;
	s19 =	sadd.s32 s2, s11;
	[dreg:$0xc] =	wrdreg s10  }
0x10: {  	s16 =	sshrl.u32 s7, $0x1;
	s20 =	sadd.s32 $0x600, s9;
	[dreg:$0xd] =	wrdreg s19  }
0x11: {  	s3 =	ssub.s32 s7, s16;
	s21 =	sadd.s32 $0x800, s9;
	[dreg:$0xe] =	wrdreg s20  }
0x12: {  	s7 =	sshll.u32 s18, $0xB;
	s9 =	sadd.s32 $0xA00, s9;
	[dreg:$0xf] =	wrdreg s21  }
0x13: {  	s8 =	sshll.u32 s8, $0xB;
	s23 =	sadd.s32 s0, s7;
	[dreg:$0x10] =	wrdreg s9  }
0x14: {  	s24 =	sadd.s32 s0, s8;
	s25 =	smax.u32 s3, $0x1;
	[dreg:$0x12] =	wrdreg s23  }
0x15: {  	s2 =	sadd.s32 s28, s2;
	s0 =	sadd.s32 s26, s0;
	[dreg:$0x13] =	wrdreg s24  }
0x16: {  	[dreg:$0x14] =	wrdreg s25;
	s2 =	sadd.s32 s29, s2;
	s0 =	sadd.s32 s5, s0  }
0x17: {  	s31 =	sadd.s32 $0x1600, s2;
	[dreg:$0x7] =	wrdreg s0;
	s0 =	simm.s32 @!p0 $0x0  }
0x18: {  	[dreg:$0x15] =	wrdreg s31;
	s0 =	simm.s32 @p0 $0x1  }
0x19: {  	s2 =	simm.s32 $0x0;
	[smem:$0x7FD] =	sst s0  }
.LBB2_1:
0x1a: {  	[dreg:$0x16] =	wrdreg s2  }
0x1b: {  	s0 =	rddreg [dreg:$0xb]  }
0x1c: {  	s26 =	rddreg [dreg:$0xc]  }
0x1d: {  	s29 =	rddreg [dreg:$0xd]  }
0x1e: {  	s3 =	simm.s32 $0x0;
	s2 =	rddreg [dreg:$0xe]  }
0x1f: {  	[tilespmem:s3], [sflag:$0x1] =	stream.linear.gather [hbm4b:s0+s3], $0x80, $0x38;
	[tilespmem:$0x18A80] =	vst v63  }
0x20: {  	s5 =	simm.s32 $0x80;
	s6 =	rddreg [dreg:$0xf]  }
0x21: {  	[tilespmem:s5], [sflag:$0x2] =	stream.linear.gather [hbm4b:s26+s3], $0x80, $0x38;
	[tilespmem:$0x18A80] =	vst v63  }
0x22: {  	s1 =	simm.s32 $0x100;
	s8 =	rddreg [dreg:$0x10]  }
0x23: {  	[tilespmem:s1], [sflag:$0x3] =	stream.linear.gather [hbm4b:s29+s3], $0x80, $0x38;
	[tilespmem:$0x18A80] =	vst v63  }
0x24: {  	s4 =	simm.s32 $0x180;
	s10 =	rddreg [dreg:$0x11]  }
0x25: {  	[tilespmem:s4], [sflag:$0x4] =	stream.linear.gather [hbm4b:s2+s3], $0x80, $0x38;
	[tilespmem:$0x18A80] =	vst v63  }
0x26: {  	s7 =	simm.s32 $0x200;
	s11 =	rddreg [dreg:$0x12]  }
0x27: {  	[tilespmem:s7], [sflag:$0x5] =	stream.linear.gather [hbm4b:s6+s3], $0x80, $0x38;
	[tilespmem:$0x18A80] =	vst v63  }
0x28: {  	s9 =	simm.s32 $0x280;
	s15 =	sld [smem:$0x7FD]  }
0x29: {  	[tilespmem:s9], [sflag:$0x6] =	stream.linear.gather [hbm4b:s8+s3], $0x80, $0x38;
	[tilespmem:$0x18A80] =	vst v63  }
0x2a: {  	s12 =	simm.s32 $0x4300;
	s13 =	rddreg [dreg:$0x13];
	s6 =	simm.s32 $0x300  }
0x2b: {  	[tilespmem:s6], [sflag:$0x7] =	stream.linear.gather [hbm4b:s10+s3], $0x4000, $0x38;
	[tilespmem:$0x18A80] =	vst v63  }
0x2c: {  	s14 =	simm.s32 $0x8300;
	p0 =	seq.s32 s15, $0x1;
	s1 =	rddreg [dreg:$0x4]  }
0x2d: {  	[tilespmem:s12], [sflag:$0x8] =	stream.linear.gather [hbm4b:s11+s3], $0x4000, $0x38;
	[tilespmem:$0x18A80] =	vst v63  }
0x2e: {  	s0 =	sshrl.u32 @!p0 s1, $0x3;
	s2 =	simm.s32 @!p0 $0x1C19;
	s4 =	rddreg [dreg:$0x9]  }
0x2f: {  	[tilespmem:s14], [sflag:$0x9] =	stream.linear.gather [hbm4b:s13+s3], $0x4000, $0x38;
	[tilespmem:$0x18A80] =	vst v63  }
0x30: {  	[spmem:s0], [sflag:s2] =	dma.local @!p0 [hbm:s4], $0xF00  }
0x31: {  	s0 =	simm.s32 @!p0 $0x19  }
0x32: {  	_ =	swait.ge @!p0 [sflag:s0], $0xF00  }
0x33: {  	[sflag:s0] =	ssyncset.done @!p0 $0x0  }
0x34: {  	[sflag:s0] =	ssyncadd.s32 @!p0 $0xFFFFF100  }
0x35: {  	s16 =	simm.s32 $0x1;
	[bflag:$0x0] =	sbarrier.arrive $0xFFFF  }
0x36: {  	_ =	swait.ge [sflag:s16], $0x80  }
0x37: {  	[sflag:s16] =	ssyncset.done $0x0  }
0x38: {  	s17 =	simm.s32 $0x7;
	[sflag:s16] =	ssyncadd.s32 $0xFFFFFF80  }
0x39: {  	_ =	swait.ge [sflag:s17], $0x4000  }
0x3a: {  	[sflag:s17] =	ssyncset.done $0x0;
	s13 =	rddreg [dreg:$0xa]  }
0x3b: {  	[sflag:s17] =	ssyncadd.s32 $0xFFFFC000;
	s18 =	sadd.s32 $0x20, s13  }
0x3c: {  	[tilespmem:s6], [sflag:$0xD] =	stream.indirect.gather.add.f32 [spmem:s1], $0x80, s3, s5, $0xb8;
	[tilespmem:$0x18A80] =	vst v63  }
0x3d: {  	p1 =	sgt.u32 s18, $0x9C3  }
0x3e: {  	s0 =	simm.s32 @!p1 $0x2  }
0x3f: {  	s19 =	sadd.s32 $0x40, s13;
	s20 =	sadd.s32 $0x60, s13;
	_ =	swait.ge @!p1 [sflag:s0], $0x80  }
0x40: {  	p0 =	sgt.u32 s13, $0x9C3;
	s25 =	sadd.s32 $0xC0, s13;
	[sflag:s0] =	ssyncset.done @!p1 $0x0  }
0x41: {  	p6 =	sgt.u32 s20, $0x9C3;
	s4 =	simm.s32 @!p1 $0x8;
	[sflag:s0] =	ssyncadd.s32 @!p1 $0xFFFFFF80  }
0x42: {  	s3 =	simm.s32 @!p0 $0xD;
	s6 =	simm.s32 @!p0 $0x300;
	_ =	swait.ge @!p1 [sflag:s4], $0x4000  }
0x43: {  	p2 =	por @!p6 $0x1, $0x1;
	s5 =	simm.s32 @!p1 $0x4300;
	[sflag:s4] =	ssyncset.done @!p1 $0x0  }
0x44: {  	p2 =	por p2, p6;
	s0 =	simm.s32 @!p1 $0x80;
	[sflag:s4] =	ssyncadd.s32 @!p1 $0xFFFFC000  }
0x45: {  	[tilespmem:s5], [sflag:$0xE] =	stream.indirect.gather.add.f32 @!p1 [spmem:s1], $0x80, s0, s0, $0xb8;
	[tilespmem:$0x18A80] =	vst v63  }
0x46: {  	p5 =	sgt.u32 s19, $0x9C3;
	s4 =	simm.s32 @!p2 $0x16;
	_ =	swait.ge @!p0 [sflag:s3], $0x4000  }
0x47: {  	s0 =	simm.s32 @!p0 $0x0;
	[sflag:s3] =	ssyncset.done @!p0 $0x0;
	s14 =	rddreg [dreg:$0x6]  }
0x48: {  	s15 =	rddreg [dreg:$0x7];
	[sflag:s3] =	ssyncadd.s32 @!p0 $0xFFFFC000;
	s3 =	sadd.s32 @!p0 $0x0, s14  }
0x49: {  	[hbm4b:s3+s0] =	stream.linear.scatter @!p0 [tilespmem:s6], [sflag:$0x13], $0x4000, $0x38;
	[tilespmem:$0x18A80] =	vst v63  }
0x4a: {  	s2 =	simm.s32 @!p6 $0x0;
	s0 =	sadd.s32 @!p6 $0x0, s15;
	_ =	swait.ge @!p2 [sflag:s4], $0x4000  }
0x4b: {  	p0 =	sgt.u32 s25, $0x9C3;
	s3 =	simm.s32 @!p6 $0xC300;
	[sflag:s4] =	ssyncset.done @!p2 $0x0  }
0x4c: {  	s0 =	sadd.s32 @!p6 $0x30000, s0;
	s16 =	rddreg [dreg:$0x15];
	[sflag:s4] =	ssyncadd.s32 @!p2 $0xFFFFC000  }
0x4d: {  	[tilespmem:s3], [sflag:$0xA] =	stream.linear.gather @!p6 [hbm4b:s0+s2], $0x4000, $0x38;
	[tilespmem:$0x18A80] =	vst v63  }
0x4e: {  	s6 =	simm.s32 @!p5 $0x3;
	s4 =	sadd.s32 @!p0 $0xFFFFF600, s16;
	s0 =	simm.s32 @!p0 $0x0  }
0x4f: {  	[tilespmem:s0], [sflag:$0x1] =	stream.linear.gather @!p0 [hbm4b:s4+s0], $0x80, $0x38;
	[tilespmem:$0x18A80] =	vst v63  }
0x50: {  	_ =	swait.ge @!p5 [sflag:s6], $0x80  }
0x51: {  	[sflag:s6] =	ssyncset.done @!p5 $0x0  }
0x52: {  	s22 =	sadd.s32 $0x80, s13;
	s7 =	simm.s32 @!p5 $0x9;
	[sflag:s6] =	ssyncadd.s32 @!p5 $0xFFFFFF80  }
0x53: {  	p3 =	sgt.u32 s22, $0x9C3;
	s8 =	simm.s32 @!p5 $0x80;
	_ =	swait.ge @!p5 [sflag:s7], $0x4000  }
0x54: {  	s9 =	simm.s32 @!p5 $0x100;
	p2 =	por @!p3 $0x1, $0x1;
	[sflag:s7] =	ssyncset.done @!p5 $0x0  }
0x55: {  	s6 =	simm.s32 @!p1 $0xE;
	[sflag:s7] =	ssyncadd.s32 @!p5 $0xFFFFC000;
	s7 =	simm.s32 @!p5 $0x8300  }
0x56: {  	[tilespmem:s7], [sflag:$0xF] =	stream.indirect.gather.add.f32 @!p5 [spmem:s1], $0x80, s9, s8, $0xb8;
	[tilespmem:$0x18A80] =	vst v63  }
0x57: {  	s21 =	sadd.s32 $0xE0, s13;
	p2 =	por p2, p3;
	_ =	swait.ge @!p1 [sflag:s6], $0x4000  }
0x58: {  	s8 =	sadd.s32 @!p1 $0x0, s14;
	s9 =	simm.s32 @!p2 $0x17;
	[sflag:s6] =	ssyncset.done @!p1 $0x0  }
0x59: {  	s8 =	sadd.s32 @!p1 $0x10000, s8;
	[sflag:s6] =	ssyncadd.s32 @!p1 $0xFFFFC000;
	s6 =	simm.s32 @!p1 $0x0  }
0x5a: {  	[hbm4b:s8+s6] =	stream.linear.scatter @!p1 [tilespmem:s5], [sflag:$0x14], $0x4000, $0x38;
	[tilespmem:$0x18A80] =	vst v63  }
0x5b: {  	p4 =	sgt.u32 s21, $0x9C3;
	s4 =	sadd.s32 @!p3 $0x0, s15;
	_ =	swait.ge @!p2 [sflag:s9], $0x4000  }
0x5c: {  	s10 =	simm.s32 @!p6 $0x4;
	s4 =	sadd.s32 @!p3 $0x40000, s4;
	[sflag:s9] =	ssyncset.done @!p2 $0x0  }
0x5d: {  	s5 =	simm.s32 @!p3 $0x10300;
	s6 =	simm.s32 @!p3 $0x0;
	[sflag:s9] =	ssyncadd.s32 @!p2 $0xFFFFC000  }
0x5e: {  	[tilespmem:s5], [sflag:$0xB] =	stream.linear.gather @!p3 [hbm4b:s4+s6], $0x4000, $0x38;
	[tilespmem:$0x18A80] =	vst v63  }
0x5f: {  	s8 =	simm.s32 @!p4 $0x80;
	s9 =	sadd.s32 @!p4 $0xFFFFF800, s16;
	s4 =	simm.s32 @!p4 $0x0  }
0x60: {  	[tilespmem:s8], [sflag:$0x2] =	stream.linear.gather @!p4 [hbm4b:s9+s4], $0x80, $0x38;
	[tilespmem:$0x18A80] =	vst v63  }
0x61: {  	_ =	swait.ge @!p6 [sflag:s10], $0x80  }
0x62: {  	[sflag:s10] =	ssyncset.done @!p6 $0x0  }
0x63: {  	s8 =	simm.s32 @!p6 $0xA;
	[sflag:s10] =	ssyncadd.s32 @!p6 $0xFFFFFF80  }
0x64: {  	s23 =	sadd.s32 $0xA0, s13;
	_ =	swait.ge @!p6 [sflag:s8], $0x4000  }
0x65: {  	p1 =	sgt.u32 s23, $0x9C3;
	s9 =	simm.s32 @!p6 $0x80;
	[sflag:s8] =	ssyncset.done @!p6 $0x0  }
0x66: {  	s10 =	simm.s32 @!p6 $0x180;
	[sflag:s8] =	ssyncadd.s32 @!p6 $0xFFFFC000;
	s8 =	simm.s32 @!p5 $0xF  }
0x67: {  	[tilespmem:s3], [sflag:$0x10] =	stream.indirect.gather.add.f32 @!p6 [spmem:s1], $0x80, s10, s9, $0xb8;
	[tilespmem:$0x18A80] =	vst v63  }
0x68: {  	p2 =	por @!p1 $0x1, $0x1;
	_ =	swait.ge @!p5 [sflag:s8], $0x4000  }
0x69: {  	p2 =	por p2, p1;
	s9 =	sadd.s32 @!p5 $0x0, s14;
	[sflag:s8] =	ssyncset.done @!p5 $0x0  }
0x6a: {  	s10 =	simm.s32 @!p5 $0x0;
	s9 =	sadd.s32 @!p5 $0x20000, s9;
	[sflag:s8] =	ssyncadd.s32 @!p5 $0xFFFFC000  }
0x6b: {  	[hbm4b:s9+s10] =	stream.linear.scatter @!p5 [tilespmem:s7], [sflag:$0x15], $0x4000, $0x38;
	[tilespmem:$0x18A80] =	vst v63  }
0x6c: {  	s7 =	simm.s32 @!p2 $0x18  }
0x6d: {  	_ =	swait.ge @!p2 [sflag:s7], $0x4000  }
0x6e: {  	s24 =	sadd.s32 $0x100, s13;
	s12 =	simm.s32 @!p1 $0x0;
	[sflag:s7] =	ssyncset.done @!p2 $0x0  }
0x6f: {  	s18 =	simm.s32 @!p1 $0x14300;
	s9 =	sadd.s32 @!p1 $0x0, s15;
	[sflag:s7] =	ssyncadd.s32 @!p2 $0xFFFFC000  }
0x70: {  	p2 =	sgt.u32 s24, $0x9C3;
	s7 =	sadd.s32 @!p1 $0x50000, s9;
	s9 =	simm.s32 @!p3 $0x5  }
0x71: {  	[tilespmem:s18], [sflag:$0xC] =	stream.linear.gather @!p1 [hbm4b:s7+s12], $0x4000, $0x38;
	[tilespmem:$0x18A80] =	vst v63  }
0x72: {  	s8 =	sadd.s32 @!p2 $0xFFFFFA00, s16;
	s7 =	simm.s32 @!p2 $0x100;
	s11 =	simm.s32 @!p2 $0x0  }
0x73: {  	[tilespmem:s7], [sflag:$0x3] =	stream.linear.gather @!p2 [hbm4b:s8+s11], $0x80, $0x38;
	[tilespmem:$0x18A80] =	vst v63  }
0x74: {  	_ =	swait.ge @!p3 [sflag:s9], $0x80  }
0x75: {  	[sflag:s9] =	ssyncset.done @!p3 $0x0  }
0x76: {  	s7 =	simm.s32 @!p3 $0xB;
	[sflag:s9] =	ssyncadd.s32 @!p3 $0xFFFFFF80  }
0x77: {  	_ =	swait.ge @!p3 [sflag:s7], $0x4000  }
0x78: {  	s10 =	simm.s32 @!p3 $0x200;
	[sflag:s7] =	ssyncset.done @!p3 $0x0  }
0x79: {  	s8 =	simm.s32 @!p6 $0x10;
	s9 =	simm.s32 @!p3 $0x80;
	[sflag:s7] =	ssyncadd.s32 @!p3 $0xFFFFC000  }
0x7a: {  	[tilespmem:s5], [sflag:$0x11] =	stream.indirect.gather.add.f32 @!p3 [spmem:s1], $0x80, s10, s9, $0xb8;
	[tilespmem:$0x18A80] =	vst v63  }
0x7b: {  	_ =	swait.ge @!p6 [sflag:s8], $0x4000  }
0x7c: {  	s7 =	sadd.s32 @!p6 $0x0, s14;
	[sflag:s8] =	ssyncset.done @!p6 $0x0  }
0x7d: {  	s7 =	sadd.s32 @!p6 $0x30000, s7;
	s9 =	simm.s32 @!p0 $0x13;
	[sflag:s8] =	ssyncadd.s32 @!p6 $0xFFFFC000  }
0x7e: {  	[hbm4b:s7+s2] =	stream.linear.scatter @!p6 [tilespmem:s3], [sflag:$0x16], $0x4000, $0x38;
	[tilespmem:$0x18A80] =	vst v63  }
0x7f: {  	s26 =	sadd.s32 $0x120, s13;
	_ =	swait.ge @!p0 [sflag:s9], $0x4000  }
0x80: {  	p5 =	sgt.u32 s26, $0x9C3;
	s2 =	sadd.s32 @!p0 $0x0, s15;
	[sflag:s9] =	ssyncset.done @!p0 $0x0  }
0x81: {  	s7 =	simm.s32 @!p0 $0x300;
	s2 =	sadd.s32 @!p0 $0x60000, s2;
	[sflag:s9] =	ssyncadd.s32 @!p0 $0xFFFFC000  }
0x82: {  	[tilespmem:s7], [sflag:$0x7] =	stream.linear.gather @!p0 [hbm4b:s2+s0], $0x4000, $0x38;
	[tilespmem:$0x18A80] =	vst v63  }
0x83: {  	s8 =	simm.s32 @!p5 $0x180;
	s3 =	simm.s32 @!p5 $0x0;
	s2 =	sadd.s32 @!p5 $0xFFFFFC00, s16  }
0x84: {  	[tilespmem:s8], [sflag:$0x4] =	stream.linear.gather @!p5 [hbm4b:s2+s3], $0x80, $0x38;
	[tilespmem:$0x18A80] =	vst v63  }
0x85: {  	s2 =	simm.s32 @!p1 $0x6  }
0x86: {  	_ =	swait.ge @!p1 [sflag:s2], $0x80  }
0x87: {  	[sflag:s2] =	ssyncset.done @!p1 $0x0  }
0x88: {  	s3 =	simm.s32 @!p1 $0xC;
	[sflag:s2] =	ssyncadd.s32 @!p1 $0xFFFFFF80  }
0x89: {  	_ =	swait.ge @!p1 [sflag:s3], $0x4000  }
0x8a: {  	s9 =	simm.s32 @!p1 $0x280;
	[sflag:s3] =	ssyncset.done @!p1 $0x0  }
0x8b: {  	s8 =	simm.s32 @!p1 $0x80;
	s2 =	simm.s32 @!p3 $0x11;
	[sflag:s3] =	ssyncadd.s32 @!p1 $0xFFFFC000  }
0x8c: {  	[tilespmem:s18], [sflag:$0x12] =	stream.indirect.gather.add.f32 @!p1 [spmem:s1], $0x80, s9, s8, $0xb8;
	[tilespmem:$0x18A80] =	vst v63  }
0x8d: {  	_ =	swait.ge @!p3 [sflag:s2], $0x4000  }
0x8e: {  	s3 =	sadd.s32 @!p3 $0x0, s14;
	[sflag:s2] =	ssyncset.done @!p3 $0x0  }
0x8f: {  	s3 =	sadd.s32 @!p3 $0x40000, s3;
	[sflag:s2] =	ssyncadd.s32 @!p3 $0xFFFFC000;
	s2 =	simm.s32 @!p4 $0x14  }
0x90: {  	[hbm4b:s3+s6] =	stream.linear.scatter @!p3 [tilespmem:s5], [sflag:$0x17], $0x4000, $0x38;
	[tilespmem:$0x18A80] =	vst v63  }
0x91: {  	s29 =	sadd.s32 $0x140, s13;
	_ =	swait.ge @!p4 [sflag:s2], $0x4000  }
0x92: {  	s5 =	sadd.s32 @!p4 $0x0, s15;
	s6 =	simm.s32 @!p4 $0x4300;
	[sflag:s2] =	ssyncset.done @!p4 $0x0  }
0x93: {  	p3 =	sgt.u32 s29, $0x9C3;
	s5 =	sadd.s32 @!p4 $0x70000, s5;
	[sflag:s2] =	ssyncadd.s32 @!p4 $0xFFFFC000  }
0x94: {  	[tilespmem:s6], [sflag:$0x8] =	stream.linear.gather @!p4 [hbm4b:s5+s4], $0x4000, $0x38;
	[tilespmem:$0x18A80] =	vst v63  }
0x95: {  	s3 =	simm.s32 @!p3 $0x200;
	s2 =	sadd.s32 @!p3 $0xFFFFFE00, s16;
	s4 =	simm.s32 @!p3 $0x0  }
0x96: {  	[tilespmem:s3], [sflag:$0x5] =	stream.linear.gather @!p3 [hbm4b:s2+s4], $0x80, $0x38;
	[tilespmem:$0x18A80] =	vst v63  }
0x97: {  	s2 =	simm.s32 @!p0 $0x1  }
0x98: {  	_ =	swait.ge @!p0 [sflag:s2], $0x80  }
0x99: {  	s17 =	sadd.s32 $0x160, s25;
	s30 =	sadd.s32 $0x140, s25;
	[sflag:s2] =	ssyncset.done @!p0 $0x0  }
0x9a: {  	s23 =	sadd.s32 $0x160, s13;
	s3 =	simm.s32 @!p0 $0x7;
	[sflag:s2] =	ssyncadd.s32 @!p0 $0xFFFFFF80  }
0x9b: {  	s24 =	sadd.s32 $0xC00, s16;
	s10 =	sadd.s32 $0x40, s25;
	_ =	swait.ge @!p0 [sflag:s3], $0x4000  }
0x9c: {  	s8 =	sadd.s32 $0x100, s25;
	s9 =	simm.s32 $0xC0000;
	[sflag:s3] =	ssyncset.done @!p0 $0x0  }
0x9d: {  	s4 =	sadd.s32 @!p2 $0x0, s15;
	s2 =	simm.s32 @!p0 $0x80;
	[sflag:s3] =	ssyncadd.s32 @!p0 $0xFFFFC000  }
0x9e: {  	[tilespmem:s7], [sflag:$0xD] =	stream.indirect.gather.add.f32 @!p0 [spmem:s1], $0x80, s0, s2, $0xb8;
	[tilespmem:$0x18A80] =	vst v63  }
0x9f: {  	s31 =	sadd.s32 @!p2 $0x80000, s4;
	s3 =	simm.s32 $0x60000;
	s2 =	simm.s32 @!p1 $0x12  }
0xa0: {  	s0 =	sadd.s32 @!p1 $0x0, s14;
	s7 =	smov.u32 s25;
	_ =	swait.ge @!p1 [sflag:s2], $0x4000  }
0xa1: {  	s28 =	sadd.s32 @!p1 $0x50000, s0;
	s0 =	simm.s32 @!p2 $0x15;
	[sflag:s2] =	ssyncset.done @!p1 $0x0  }
.LBB2_2:
0xa2: {  	s4 =	sadd.s32 $0xE0, s7;
	[sflag:s2] =	ssyncadd.s32 @!p1 $0xFFFFC000  }
0xa3: {  	[hbm4b:s28+s12] =	stream.linear.scatter @!p1 [tilespmem:s18], [sflag:$0x18], $0x4000, $0x38;
	[tilespmem:$0x18A80] =	vst v63  }
0xa4: {  	s1 =	smov.u32 s9;
	p0 =	sgt.u32 s4, $0x9C3  }
0xa5: {  	[dreg:$0x8] =	wrdreg s1;
	s1 =	simm.s32 @!p0 $0x0  }
0xa6: {  	s1 =	simm.s32 @p0 $0x1  }
0xa7: {  	[smem:$0x7FB] =	sst s1  }
0xa8: {  	_ =	swait.ge @!p2 [sflag:s0], $0x4000  }
0xa9: {  	s22 =	sadd.s32 $0x20, s7;
	p4 =	sgt.u32 s23, $0x9C3;
	[sflag:s0] =	ssyncset.done @!p2 $0x0  }
0xaa: {  	p1 =	sgt.u32 s22, $0x9C3;
	[sflag:s0] =	ssyncadd.s32 @!p2 $0xFFFFC000;
	s0 =	simm.s32 @!p2 $0x8300  }
0xab: {  	[tilespmem:s0], [sflag:$0x9] =	stream.linear.gather @!p2 [hbm4b:s31+s11], $0x4000, $0x38;
	[tilespmem:$0x18A80] =	vst v63  }
0xac: {  	s4 =	simm.s32 @!p4 $0x0;
	s5 =	simm.s32 @!p4 $0x280;
	s0 =	simm.s32 @!p1 $0x2  }
0xad: {  	[tilespmem:s5], [sflag:$0x6] =	stream.linear.gather @!p4 [hbm4b:s16+s4], $0x80, $0x38;
	[tilespmem:$0x18A80] =	vst v63  }
0xae: {  	_ =	swait.ge @!p1 [sflag:s0], $0x80  }
0xaf: {  	s26 =	sadd.s32 $0x60, s7;
	p3 =	sgt.u32 s10, $0x9C3;
	[sflag:s0] =	ssyncset.done @!p1 $0x0  }
0xb0: {  	p5 =	sgt.u32 s26, $0x9C3;
	s10 =	simm.s32 @!p1 $0x8;
	[sflag:s0] =	ssyncadd.s32 @!p1 $0xFFFFFF80  }
0xb1: {  	s2 =	simm.s32 @!p1 $0x4300;
	s15 =	rddreg [dreg:$0x7];
	_ =	swait.ge @!p1 [sflag:s10], $0x4000  }
0xb2: {  	p0 =	sgt.u32 s7, $0x9C3;
	s6 =	rddreg [dreg:$0x6];
	[sflag:s10] =	ssyncset.done @!p1 $0x0  }
0xb3: {  	s0 =	sadd.s32 @!p5 s3, s6;
	[sflag:s10] =	ssyncadd.s32 @!p1 $0xFFFFC000;
	s10 =	simm.s32 @!p0 $0xD  }
0xb4: {  	s14 =	sadd.s32 @!p5 $0x30000, s0;
	s0 =	simm.s32 @!p1 $0x80;
	s13 =	rddreg [dreg:$0x4]  }
0xb5: {  	[tilespmem:s2], [sflag:$0xE] =	stream.indirect.gather.add.f32 @!p1 [spmem:s13], $0x80, s0, s0, $0xb8;
	[tilespmem:$0x18A80] =	vst v63  }
0xb6: {  	p2 =	seq.s32 @!p5 s3, $0x0;
	s11 =	simm.s32 @!p0 $0x300;
	_ =	swait.ge @!p0 [sflag:s10], $0x4000  }
0xb7: {  	p6 =	por p2, p5;
	s4 =	simm.s32 @!p0 $0x0;
	[sflag:s10] =	ssyncset.done @!p0 $0x0  }
0xb8: {  	s0 =	simm.s32 @!p6 $0x16;
	[sflag:s10] =	ssyncadd.s32 @!p0 $0xFFFFC000;
	s10 =	sadd.s32 @!p0 s3, s6  }
0xb9: {  	[hbm4b:s10+s4] =	stream.linear.scatter @!p0 [tilespmem:s11], [sflag:$0x13], $0x4000, $0x38;
	[tilespmem:$0x18A80] =	vst v63  }
0xba: {  	s25 =	sadd.s32 $0xC0, s25;
	s1 =	simm.s32 @!p5 $0x0;
	_ =	swait.ge @!p6 [sflag:s0], $0x4000  }
0xbb: {  	p4 =	sgt.u32 s25, $0x9C3;
	s5 =	sadd.s32 @!p5 s3, s15;
	[sflag:s0] =	ssyncset.done @!p6 $0x0  }
0xbc: {  	s18 =	sadd.s32 @!p5 $0x30000, s5;
	s5 =	simm.s32 @!p5 $0xC300;
	[sflag:s0] =	ssyncadd.s32 @!p6 $0xFFFFC000  }
0xbd: {  	[tilespmem:s5], [sflag:$0xA] =	stream.linear.gather @!p5 [hbm4b:s18+s1], $0x4000, $0x38;
	[tilespmem:$0x18A80] =	vst v63  }
0xbe: {  	s4 =	sadd.s32 @!p4 $0xFFFFF600, s24;
	s0 =	simm.s32 @!p4 $0x0;
	s18 =	simm.s32 @!p3 $0x3  }
0xbf: {  	[tilespmem:s0], [sflag:$0x1] =	stream.linear.gather @!p4 [hbm4b:s4+s0], $0x80, $0x38;
	[tilespmem:$0x18A80] =	vst v63  }
0xc0: {  	s29 =	sadd.s32 $0x80, s7;
	_ =	swait.ge @!p3 [sflag:s18], $0x80  }
0xc1: {  	s19 =	simm.s32 @!p3 $0x9;
	s20 =	simm.s32 @!p3 $0x100;
	[sflag:s18] =	ssyncset.done @!p3 $0x0  }
0xc2: {  	s21 =	sadd.s32 @!p1 s3, s6;
	p0 =	sgt.u32 s29, $0x9C3;
	[sflag:s18] =	ssyncadd.s32 @!p3 $0xFFFFFF80  }
0xc3: {  	p2 =	seq.s32 @!p0 s3, $0x0;
	s16 =	sadd.s32 @!p0 s3, s6;
	_ =	swait.ge @!p3 [sflag:s19], $0x4000  }
0xc4: {  	s29 =	sadd.s32 @!p0 $0x40000, s16;
	s16 =	simm.s32 @!p3 $0x8300;
	[sflag:s19] =	ssyncset.done @!p3 $0x0  }
0xc5: {  	s4 =	simm.s32 @!p3 $0x80;
	[sflag:s19] =	ssyncadd.s32 @!p3 $0xFFFFC000;
	s19 =	simm.s32 @!p1 $0xE  }
0xc6: {  	[tilespmem:s16], [sflag:$0xF] =	stream.indirect.gather.add.f32 @!p3 [spmem:s13], $0x80, s20, s4, $0xb8;
	[tilespmem:$0x18A80] =	vst v63  }
0xc7: {  	s21 =	sadd.s32 @!p1 $0x10000, s21;
	p6 =	por p2, p0;
	_ =	swait.ge @!p1 [sflag:s19], $0x4000  }
0xc8: {  	s4 =	sadd.s32 @!p0 s3, s15;
	s20 =	simm.s32 @!p6 $0x17;
	[sflag:s19] =	ssyncset.done @!p1 $0x0  }
0xc9: {  	s23 =	sadd.s32 @!p0 $0x40000, s4;
	s4 =	simm.s32 @!p1 $0x0;
	[sflag:s19] =	ssyncadd.s32 @!p1 $0xFFFFC000  }
0xca: {  	[hbm4b:s21+s4] =	stream.linear.scatter @!p1 [tilespmem:s2], [sflag:$0x14], $0x4000, $0x38;
	[tilespmem:$0x18A80] =	vst v63  }
0xcb: {  	_ =	swait.ge @!p6 [sflag:s20], $0x4000  }
0xcc: {  	s9 =	sadd.s32 $0x60000, s9;
	s22 =	sld [smem:$0x7FB]  }
0xcd: {  	s28 =	simm.s32 @!p5 $0x4;
	s12 =	sadd.s32 @!p4 s3, s15;
	p2 =	sne.s32 s9, $0x540000  }
0xce: {  	s31 =	simm.s32 @!p5 $0x80;
	s26 =	sadd.s32 @!p4 $0x60000, s12;
	s0 =	simm.s32 @!p2 $0x0  }
0xcf: {  	s0 =	simm.s32 @p2 $0x1;
	s2 =	simm.s32 @!p0 $0x10300;
	p1 =	seq.s32 s22, $0x1  }
0xd0: {  	[smem:$0x7FC] =	sst s0;
	[sflag:s20] =	ssyncset.done @!p6 $0x0;
	s4 =	sadd.s32 @!p1 s3, s15  }
0xd1: {  	[sflag:s20] =	ssyncadd.s32 @!p6 $0xFFFFC000;
	s19 =	sadd.s32 @!p1 $0x70000, s4;
	s4 =	simm.s32 @!p0 $0x0  }
0xd2: {  	[tilespmem:s2], [sflag:$0xB] =	stream.linear.gather @!p0 [hbm4b:s23+s4], $0x4000, $0x38;
	[tilespmem:$0x18A80] =	vst v63  }
0xd3: {  	s21 =	simm.s32 @!p1 $0x80;
	s20 =	simm.s32 @!p1 $0x0;
	s23 =	sadd.s32 @!p1 $0xFFFFF800, s24  }
0xd4: {  	[tilespmem:s21], [sflag:$0x2] =	stream.linear.gather @!p1 [hbm4b:s23+s20], $0x80, $0x38;
	[tilespmem:$0x18A80] =	vst v63  }
0xd5: {  	s12 =	sadd.s32 $0x160, s25;
	s1 =	simm.s32 @!p5 $0x180;
	_ =	swait.ge @!p5 [sflag:s28], $0x80  }
0xd6: {  	s18 =	sadd.s32 @!p3 s3, s6;
	s0 =	sadd.s32 $0xA0, s7;
	[sflag:s28] =	ssyncset.done @!p5 $0x0  }
0xd7: {  	s22 =	simm.s32 @!p5 $0xA;
	p1 =	sgt.u32 s0, $0x9C3;
	[sflag:s28] =	ssyncadd.s32 @!p5 $0xFFFFFF80  }
0xd8: {  	s18 =	sadd.s32 @!p3 $0x20000, s18;
	p2 =	seq.s32 @!p1 s3, $0x0;
	_ =	swait.ge @!p5 [sflag:s22], $0x4000  }
0xd9: {  	s23 =	sadd.s32 @!p1 s3, s6;
	p6 =	por p2, p1;
	[sflag:s22] =	ssyncset.done @!p5 $0x0  }
0xda: {  	p2 =	sgt.u32 s8, $0x9C3;
	[sflag:s22] =	ssyncadd.s32 @!p5 $0xFFFFC000;
	s22 =	simm.s32 @!p3 $0xF  }
0xdb: {  	[tilespmem:s5], [sflag:$0x10] =	stream.indirect.gather.add.f32 @!p5 [spmem:s13], $0x80, s1, s31, $0xb8;
	[tilespmem:$0x18A80] =	vst v63  }
0xdc: {  	s28 =	sadd.s32 @!p1 $0x50000, s23;
	s23 =	smov.u32 s17;
	_ =	swait.ge @!p3 [sflag:s22], $0x4000  }
0xdd: {  	s17 =	smov.u32 s12;
	s12 =	sadd.s32 @!p1 s3, s15;
	[sflag:s22] =	ssyncset.done @!p3 $0x0  }
0xde: {  	s8 =	simm.s32 @!p6 $0x18;
	s1 =	simm.s32 @!p3 $0x0;
	[sflag:s22] =	ssyncadd.s32 @!p3 $0xFFFFC000  }
0xdf: {  	[hbm4b:s18+s1] =	stream.linear.scatter @!p3 [tilespmem:s16], [sflag:$0x15], $0x4000, $0x38;
	[tilespmem:$0x18A80] =	vst v63  }
0xe0: {  	s11 =	sadd.s32 $0x100, s25;
	s22 =	sadd.s32 @!p1 $0x50000, s12;
	_ =	swait.ge @!p6 [sflag:s8], $0x4000  }
0xe1: {  	s12 =	simm.s32 @!p1 $0x0;
	s1 =	sadd.s32 @!p2 $0xFFFFFA00, s24;
	[sflag:s8] =	ssyncset.done @!p6 $0x0  }
0xe2: {  	s16 =	simm.s32 @!p2 $0x100;
	s18 =	simm.s32 @!p1 $0x14300;
	[sflag:s8] =	ssyncadd.s32 @!p6 $0xFFFFC000  }
0xe3: {  	[tilespmem:s18], [sflag:$0xC] =	stream.linear.gather @!p1 [hbm4b:s22+s12], $0x4000, $0x38;
	[tilespmem:$0x18A80] =	vst v63  }
0xe4: {  	s8 =	smov.u32 s11;
	s11 =	simm.s32 @!p2 $0x0;
	s22 =	simm.s32 @!p0 $0x5  }
0xe5: {  	[tilespmem:s16], [sflag:$0x3] =	stream.linear.gather @!p2 [hbm4b:s1+s11], $0x80, $0x38;
	[tilespmem:$0x18A80] =	vst v63  }
0xe6: {  	_ =	swait.ge @!p0 [sflag:s22], $0x80  }
0xe7: {  	[sflag:s22] =	ssyncset.done @!p0 $0x0  }
0xe8: {  	s1 =	simm.s32 @!p0 $0xB;
	[sflag:s22] =	ssyncadd.s32 @!p0 $0xFFFFFF80  }
0xe9: {  	s22 =	rddreg [dreg:$0x8];
	_ =	swait.ge @!p0 [sflag:s1], $0x4000  }
0xea: {  	s0 =	simm.s32 @!p0 $0x80;
	s6 =	simm.s32 @!p0 $0x200;
	[sflag:s1] =	ssyncset.done @!p0 $0x0  }
0xeb: {  	s3 =	sadd.s32 @!p2 s3, s15;
	s15 =	simm.s32 @!p5 $0x10;
	[sflag:s1] =	ssyncadd.s32 @!p0 $0xFFFFC000  }
0xec: {  	[tilespmem:s2], [sflag:$0x11] =	stream.indirect.gather.add.f32 @!p0 [spmem:s13], $0x80, s6, s0, $0xb8;
	[tilespmem:$0x18A80] =	vst v63  }
0xed: {  	s31 =	sadd.s32 @!p2 $0x80000, s3;
	_ =	swait.ge @!p5 [sflag:s15], $0x4000  }
0xee: {  	s3 =	smov.u32 s22;
	s22 =	sadd.s32 $0x120, s7;
	[sflag:s15] =	ssyncset.done @!p5 $0x0  }
0xef: {  	s1 =	simm.s32 @!p4 $0x13;
	s0 =	simm.s32 @!p5 $0x0;
	[sflag:s15] =	ssyncadd.s32 @!p5 $0xFFFFC000  }
0xf0: {  	[hbm4b:s14+s0] =	stream.linear.scatter @!p5 [tilespmem:s5], [sflag:$0x16], $0x4000, $0x38;
	[tilespmem:$0x18A80] =	vst v63  }
0xf1: {  	p3 =	sgt.u32 s22, $0x9C3;
	_ =	swait.ge @!p4 [sflag:s1], $0x4000  }
0xf2: {  	s6 =	simm.s32 @!p3 $0x180;
	[sflag:s1] =	ssyncset.done @!p4 $0x0  }
0xf3: {  	s15 =	simm.s32 @!p4 $0x0;
	s0 =	simm.s32 @!p4 $0x300;
	[sflag:s1] =	ssyncadd.s32 @!p4 $0xFFFFC000  }
0xf4: {  	[tilespmem:s0], [sflag:$0x7] =	stream.linear.gather @!p4 [hbm4b:s26+s15], $0x4000, $0x38;
	[tilespmem:$0x18A80] =	vst v63  }
0xf5: {  	s5 =	sadd.s32 @!p3 $0xFFFFFC00, s24;
	s14 =	simm.s32 @!p1 $0x6;
	s1 =	simm.s32 @!p3 $0x0  }
0xf6: {  	[tilespmem:s6], [sflag:$0x4] =	stream.linear.gather @!p3 [hbm4b:s5+s1], $0x80, $0x38;
	[tilespmem:$0x18A80] =	vst v63  }
0xf7: {  	_ =	swait.ge @!p1 [sflag:s14], $0x80  }
0xf8: {  	[sflag:s14] =	ssyncset.done @!p1 $0x0  }
0xf9: {  	s1 =	simm.s32 @!p1 $0xC;
	[sflag:s14] =	ssyncadd.s32 @!p1 $0xFFFFFF80  }
0xfa: {  	_ =	swait.ge @!p1 [sflag:s1], $0x4000  }
0xfb: {  	s5 =	simm.s32 @!p0 $0x11;
	[sflag:s1] =	ssyncset.done @!p1 $0x0  }
0xfc: {  	s6 =	simm.s32 @!p1 $0x80;
	s14 =	simm.s32 @!p1 $0x280;
	[sflag:s1] =	ssyncadd.s32 @!p1 $0xFFFFC000  }
0xfd: {  	[tilespmem:s18], [sflag:$0x12] =	stream.indirect.gather.add.f32 @!p1 [spmem:s13], $0x80, s14, s6, $0xb8;
	[tilespmem:$0x18A80] =	vst v63  }
0xfe: {  	_ =	swait.ge @!p0 [sflag:s5], $0x4000  }
0xff: {  	[sflag:s5] =	ssyncset.done @!p0 $0x0;
	s26 =	sld [smem:$0x7FB]  }
0x100: {  	[sflag:s5] =	ssyncadd.s32 @!p0 $0xFFFFC000  }
0x101: {  	[hbm4b:s29+s4] =	stream.linear.scatter @!p0 [tilespmem:s2], [sflag:$0x17], $0x4000, $0x38;
	[tilespmem:$0x18A80] =	vst v63  }
0x102: {  	p3 =	seq.s32 s26, $0x1  }
0x103: {  	s1 =	simm.s32 @!p3 $0x14  }
0x104: {  	_ =	swait.ge @!p3 [sflag:s1], $0x4000  }
0x105: {  	s5 =	simm.s32 @!p4 $0x1;
	[sflag:s1] =	ssyncset.done @!p3 $0x0  }
0x106: {  	p0 =	sgt.u32 s30, $0x9C3;
	s2 =	simm.s32 @!p3 $0x4300;
	[sflag:s1] =	ssyncadd.s32 @!p3 $0xFFFFC000  }
0x107: {  	[tilespmem:s2], [sflag:$0x8] =	stream.linear.gather @!p3 [hbm4b:s19+s20], $0x4000, $0x38;
	[tilespmem:$0x18A80] =	vst v63  }
0x108: {  	s4 =	simm.s32 @!p0 $0x200;
	s1 =	sadd.s32 @!p0 $0xFFFFFE00, s24;
	s2 =	simm.s32 @!p0 $0x0  }
0x109: {  	[tilespmem:s4], [sflag:$0x5] =	stream.linear.gather @!p0 [hbm4b:s1+s2], $0x80, $0x38;
	[tilespmem:$0x18A80] =	vst v63  }
0x10a: {  	_ =	swait.ge @!p4 [sflag:s5], $0x80  }
0x10b: {  	[sflag:s5] =	ssyncset.done @!p4 $0x0  }
0x10c: {  	s1 =	simm.s32 @!p4 $0x7;
	[sflag:s5] =	ssyncadd.s32 @!p4 $0xFFFFFF80  }
0x10d: {  	_ =	swait.ge @!p4 [sflag:s1], $0x4000  }
0x10e: {  	[sflag:s1] =	ssyncset.done @!p4 $0x0  }
0x10f: {  	s4 =	simm.s32 @!p4 $0x80;
	s2 =	simm.s32 @!p1 $0x12;
	[sflag:s1] =	ssyncadd.s32 @!p4 $0xFFFFC000  }
0x110: {  	[tilespmem:s0], [sflag:$0xD] =	stream.indirect.gather.add.f32 @!p4 [spmem:s13], $0x80, s15, s4, $0xb8;
	[tilespmem:$0x18A80] =	vst v63  }
0x111: {  	_ =	swait.ge @!p1 [sflag:s2], $0x4000  }
0x112: {  	s29 =	sld [smem:$0x7FC];
	_ =	sdelay $0x2  }
0x113: {  	p0 =	seq.s32 s29, $0x1  }
.Ltmp0:
0x114: {  	_ = 	snop;
	(pc) =	sbr.rel @p0 .LBB2_2-.Ltmp0, $4  }
0x115: {  	_ = 	snop  }
0x116: {  	s10 =	sadd.s32 $0x40, s25;
	s21 =	sadd.s32 $0x140, s25  }
0x117: {  	s16 =	smov.u32 s24;
	s7 =	smov.u32 s25;
	s30 =	smov.u32 s21  }
0x118: {  	s24 =	sadd.s32 $0xC00, s24;
	s0 =	simm.s32 @!p2 $0x15;
	[sflag:s2] =	ssyncset.done @!p1 $0x0  }
0x119: {  	[sflag:s2] =	ssyncadd.s32 @!p1 $0xFFFFC000  }
0x11a: {  	[hbm4b:s28+s12] =	stream.linear.scatter @!p1 [tilespmem:s18], [sflag:$0x18], $0x4000, $0x38;
	[tilespmem:$0x18A80] =	vst v63  }
0x11b: {  	_ =	swait.ge @!p2 [sflag:s0], $0x4000  }
0x11c: {  	s1 =	sadd.s32 $0x20, s7;
	p0 =	sgt.u32 s23, $0x9C3;
	[sflag:s0] =	ssyncset.done @!p2 $0x0  }
0x11d: {  	p3 =	sgt.u32 s1, $0x9C3;
	[sflag:s0] =	ssyncadd.s32 @!p2 $0xFFFFC000;
	s0 =	simm.s32 @!p2 $0x8300  }
0x11e: {  	[tilespmem:s0], [sflag:$0x9] =	stream.linear.gather @!p2 [hbm4b:s31+s11], $0x4000, $0x38;
	[tilespmem:$0x18A80] =	vst v63  }
0x11f: {  	s1 =	simm.s32 @!p0 $0x280;
	s2 =	simm.s32 @!p3 $0x2;
	s0 =	simm.s32 @!p0 $0x0  }
0x120: {  	[tilespmem:s1], [sflag:$0x6] =	stream.linear.gather @!p0 [hbm4b:s16+s0], $0x80, $0x38;
	[tilespmem:$0x18A80] =	vst v63  }
0x121: {  	_ =	swait.ge @!p3 [sflag:s2], $0x80  }
0x122: {  	[sflag:s2] =	ssyncset.done @!p3 $0x0  }
0x123: {  	p5 =	sgt.u32 s10, $0x9C3;
	s1 =	simm.s32 @!p3 $0x8;
	[sflag:s2] =	ssyncadd.s32 @!p3 $0xFFFFFF80  }
0x124: {  	s5 =	simm.s32 @!p3 $0x4300;
	s16 =	sadd.s32 $0x60, s7;
	_ =	swait.ge @!p3 [sflag:s1], $0x4000  }
0x125: {  	p0 =	sgt.u32 s7, $0x9C3;
	s0 =	simm.s32 @!p3 $0x80;
	[sflag:s1] =	ssyncset.done @!p3 $0x0  }
0x126: {  	p1 =	sgt.u32 s16, $0x9C3;
	s6 =	simm.s32 @!p0 $0x300;
	[sflag:s1] =	ssyncadd.s32 @!p3 $0xFFFFC000  }
0x127: {  	p2 =	seq.s32 @!p1 s3, $0x0;
	s1 =	simm.s32 @!p0 $0xD;
	s13 =	rddreg [dreg:$0x4]  }
0x128: {  	[tilespmem:s5], [sflag:$0xE] =	stream.indirect.gather.add.f32 @!p3 [spmem:s13], $0x80, s0, s0, $0xb8;
	[tilespmem:$0x18A80] =	vst v63  }
0x129: {  	p2 =	por p2, p1;
	s2 =	simm.s32 @!p0 $0x0;
	_ =	swait.ge @!p0 [sflag:s1], $0x4000  }
0x12a: {  	s4 =	simm.s32 @!p2 $0x16;
	[sflag:s1] =	ssyncset.done @!p0 $0x0;
	s14 =	rddreg [dreg:$0x6]  }
0x12b: {  	s15 =	rddreg [dreg:$0x7];
	[sflag:s1] =	ssyncadd.s32 @!p0 $0xFFFFC000;
	s1 =	sadd.s32 @!p0 s3, s14  }
0x12c: {  	[hbm4b:s1+s2] =	stream.linear.scatter @!p0 [tilespmem:s6], [sflag:$0x13], $0x4000, $0x38;
	[tilespmem:$0x18A80] =	vst v63  }
0x12d: {  	s18 =	sadd.s32 $0xC0, s25;
	s1 =	sadd.s32 @!p1 s3, s15;
	_ =	swait.ge @!p2 [sflag:s4], $0x4000  }
0x12e: {  	p0 =	sgt.u32 s18, $0x9C3;
	s2 =	simm.s32 @!p1 $0x0;
	[sflag:s4] =	ssyncset.done @!p2 $0x0  }
0x12f: {  	s1 =	sadd.s32 @!p1 $0x30000, s1;
	[sflag:s4] =	ssyncadd.s32 @!p2 $0xFFFFC000;
	s4 =	simm.s32 @!p1 $0xC300  }
0x130: {  	[tilespmem:s4], [sflag:$0xA] =	stream.linear.gather @!p1 [hbm4b:s1+s2], $0x4000, $0x38;
	[tilespmem:$0x18A80] =	vst v63  }
0x131: {  	s6 =	simm.s32 @!p5 $0x3;
	s0 =	simm.s32 @!p0 $0x0;
	s1 =	sadd.s32 @!p0 $0xFFFFF600, s24  }
0x132: {  	[tilespmem:s0], [sflag:$0x1] =	stream.linear.gather @!p0 [hbm4b:s1+s0], $0x80, $0x38;
	[tilespmem:$0x18A80] =	vst v63  }
0x133: {  	_ =	swait.ge @!p5 [sflag:s6], $0x80  }
0x134: {  	[sflag:s6] =	ssyncset.done @!p5 $0x0  }
0x135: {  	s20 =	sadd.s32 $0x80, s7;
	s9 =	simm.s32 @!p5 $0x9;
	[sflag:s6] =	ssyncadd.s32 @!p5 $0xFFFFFF80  }
0x136: {  	s10 =	simm.s32 @!p5 $0x80;
	p2 =	sgt.u32 s20, $0x9C3;
	_ =	swait.ge @!p5 [sflag:s9], $0x4000  }
0x137: {  	s11 =	simm.s32 @!p5 $0x100;
	p4 =	seq.s32 @!p2 s3, $0x0;
	[sflag:s9] =	ssyncset.done @!p5 $0x0  }
0x138: {  	s6 =	simm.s32 @!p5 $0x8300;
	[sflag:s9] =	ssyncadd.s32 @!p5 $0xFFFFC000;
	s9 =	simm.s32 @!p3 $0xE  }
0x139: {  	[tilespmem:s6], [sflag:$0xF] =	stream.indirect.gather.add.f32 @!p5 [spmem:s13], $0x80, s11, s10, $0xb8;
	[tilespmem:$0x18A80] =	vst v63  }
0x13a: {  	s19 =	sadd.s32 $0xE0, s7;
	p4 =	por p4, p2;
	_ =	swait.ge @!p3 [sflag:s9], $0x4000  }
0x13b: {  	s10 =	sadd.s32 @!p3 s3, s14;
	s11 =	simm.s32 @!p4 $0x17;
	[sflag:s9] =	ssyncset.done @!p3 $0x0  }
0x13c: {  	s10 =	sadd.s32 @!p3 $0x10000, s10;
	[sflag:s9] =	ssyncadd.s32 @!p3 $0xFFFFC000;
	s9 =	simm.s32 @!p3 $0x0  }
0x13d: {  	[hbm4b:s10+s9] =	stream.linear.scatter @!p3 [tilespmem:s5], [sflag:$0x14], $0x4000, $0x38;
	[tilespmem:$0x18A80] =	vst v63  }
0x13e: {  	s12 =	simm.s32 @!p1 $0x4;
	s1 =	sadd.s32 @!p2 s3, s15;
	_ =	swait.ge @!p4 [sflag:s11], $0x4000  }
0x13f: {  	s1 =	sadd.s32 @!p2 $0x40000, s1;
	p3 =	sgt.u32 s19, $0x9C3;
	[sflag:s11] =	ssyncset.done @!p4 $0x0  }
0x140: {  	s9 =	simm.s32 @!p2 $0x10300;
	s10 =	simm.s32 @!p2 $0x0;
	[sflag:s11] =	ssyncadd.s32 @!p4 $0xFFFFC000  }
0x141: {  	[tilespmem:s9], [sflag:$0xB] =	stream.linear.gather @!p2 [hbm4b:s1+s10], $0x4000, $0x38;
	[tilespmem:$0x18A80] =	vst v63  }
0x142: {  	s5 =	simm.s32 @!p3 $0x0;
	s11 =	simm.s32 @!p3 $0x80;
	s1 =	sadd.s32 @!p3 $0xFFFFF800, s24  }
0x143: {  	[tilespmem:s11], [sflag:$0x2] =	stream.linear.gather @!p3 [hbm4b:s1+s5], $0x80, $0x38;
	[tilespmem:$0x18A80] =	vst v63  }
0x144: {  	_ =	swait.ge @!p1 [sflag:s12], $0x80  }
0x145: {  	[sflag:s12] =	ssyncset.done @!p1 $0x0  }
0x146: {  	s1 =	simm.s32 @!p1 $0xA;
	[sflag:s12] =	ssyncadd.s32 @!p1 $0xFFFFFF80  }
0x147: {  	_ =	swait.ge @!p1 [sflag:s1], $0x4000  }
0x148: {  	s11 =	simm.s32 @!p1 $0x80;
	[sflag:s1] =	ssyncset.done @!p1 $0x0  }
0x149: {  	s12 =	simm.s32 @!p1 $0x180;
	[sflag:s1] =	ssyncadd.s32 @!p1 $0xFFFFC000;
	s1 =	simm.s32 @!p5 $0xF  }
0x14a: {  	[tilespmem:s4], [sflag:$0x10] =	stream.indirect.gather.add.f32 @!p1 [spmem:s13], $0x80, s12, s11, $0xb8;
	[tilespmem:$0x18A80] =	vst v63  }
0x14b: {  	s21 =	sadd.s32 $0xA0, s7;
	_ =	swait.ge @!p5 [sflag:s1], $0x4000  }
0x14c: {  	p4 =	sgt.u32 s21, $0x9C3;
	s11 =	sadd.s32 @!p5 s3, s14;
	[sflag:s1] =	ssyncset.done @!p5 $0x0  }
0x14d: {  	s12 =	simm.s32 @!p5 $0x0;
	s11 =	sadd.s32 @!p5 $0x20000, s11;
	[sflag:s1] =	ssyncadd.s32 @!p5 $0xFFFFC000  }
0x14e: {  	[hbm4b:s11+s12] =	stream.linear.scatter @!p5 [tilespmem:s6], [sflag:$0x15], $0x4000, $0x38;
	[tilespmem:$0x18A80] =	vst v63  }
0x14f: {  	p5 =	seq.s32 @!p4 s3, $0x0  }
0x150: {  	p5 =	por p5, p4  }
0x151: {  	s1 =	simm.s32 @!p5 $0x18  }
0x152: {  	s6 =	sadd.s32 @!p4 s3, s15;
	_ =	swait.ge @!p5 [sflag:s1], $0x4000  }
0x153: {  	s11 =	simm.s32 @!p4 $0x0;
	s12 =	simm.s32 @!p4 $0x14300;
	[sflag:s1] =	ssyncset.done @!p5 $0x0  }
0x154: {  	[sflag:s1] =	ssyncadd.s32 @!p5 $0xFFFFC000;
	p5 =	sgt.u32 s8, $0x9C3;
	s1 =	sadd.s32 @!p4 $0x50000, s6  }
0x155: {  	[tilespmem:s12], [sflag:$0xC] =	stream.linear.gather @!p4 [hbm4b:s1+s11], $0x4000, $0x38;
	[tilespmem:$0x18A80] =	vst v63  }
0x156: {  	s1 =	sadd.s32 @!p5 $0xFFFFFA00, s24;
	s6 =	simm.s32 @!p5 $0x100;
	s8 =	simm.s32 @!p5 $0x0  }
0x157: {  	[tilespmem:s6], [sflag:$0x3] =	stream.linear.gather @!p5 [hbm4b:s1+s8], $0x80, $0x38;
	[tilespmem:$0x18A80] =	vst v63  }
0x158: {  	s1 =	simm.s32 @!p2 $0x5  }
0x159: {  	_ =	swait.ge @!p2 [sflag:s1], $0x80  }
0x15a: {  	[sflag:s1] =	ssyncset.done @!p2 $0x0  }
0x15b: {  	s6 =	simm.s32 @!p2 $0xB;
	[sflag:s1] =	ssyncadd.s32 @!p2 $0xFFFFFF80  }
0x15c: {  	_ =	swait.ge @!p2 [sflag:s6], $0x4000  }
0x15d: {  	[sflag:s6] =	ssyncset.done @!p2 $0x0  }
0x15e: {  	s1 =	simm.s32 @!p2 $0x80;
	[sflag:s6] =	ssyncadd.s32 @!p2 $0xFFFFC000;
	s6 =	simm.s32 @!p2 $0x200  }
0x15f: {  	[tilespmem:s9], [sflag:$0x11] =	stream.indirect.gather.add.f32 @!p2 [spmem:s13], $0x80, s6, s1, $0xb8;
	[tilespmem:$0x18A80] =	vst v63  }
0x160: {  	s1 =	simm.s32 @!p1 $0x10  }
0x161: {  	_ =	swait.ge @!p1 [sflag:s1], $0x4000  }
0x162: {  	s6 =	sadd.s32 @!p1 s3, s14;
	[sflag:s1] =	ssyncset.done @!p1 $0x0  }
0x163: {  	[sflag:s1] =	ssyncadd.s32 @!p1 $0xFFFFC000;
	s1 =	sadd.s32 @!p1 $0x30000, s6  }
0x164: {  	[hbm4b:s1+s2] =	stream.linear.scatter @!p1 [tilespmem:s4], [sflag:$0x16], $0x4000, $0x38;
	[tilespmem:$0x18A80] =	vst v63  }
0x165: {  	s1 =	simm.s32 @!p0 $0x13  }
0x166: {  	s22 =	sadd.s32 $0x120, s7;
	_ =	swait.ge @!p0 [sflag:s1], $0x4000  }
0x167: {  	s6 =	simm.s32 @!p0 $0x300;
	s2 =	sadd.s32 @!p0 s3, s15;
	[sflag:s1] =	ssyncset.done @!p0 $0x0  }
0x168: {  	p1 =	sgt.u32 s22, $0x9C3;
	s2 =	sadd.s32 @!p0 $0x60000, s2;
	[sflag:s1] =	ssyncadd.s32 @!p0 $0xFFFFC000  }
0x169: {  	[tilespmem:s6], [sflag:$0x7] =	stream.linear.gather @!p0 [hbm4b:s2+s0], $0x4000, $0x38;
	[tilespmem:$0x18A80] =	vst v63  }
0x16a: {  	s4 =	simm.s32 @!p1 $0x180;
	s1 =	sadd.s32 @!p1 $0xFFFFFC00, s24;
	s2 =	simm.s32 @!p1 $0x0  }
0x16b: {  	[tilespmem:s4], [sflag:$0x4] =	stream.linear.gather @!p1 [hbm4b:s1+s2], $0x80, $0x38;
	[tilespmem:$0x18A80] =	vst v63  }
0x16c: {  	s1 =	simm.s32 @!p4 $0x6  }
0x16d: {  	_ =	swait.ge @!p4 [sflag:s1], $0x80  }
0x16e: {  	[sflag:s1] =	ssyncset.done @!p4 $0x0  }
0x16f: {  	s2 =	simm.s32 @!p4 $0xC;
	[sflag:s1] =	ssyncadd.s32 @!p4 $0xFFFFFF80  }
0x170: {  	_ =	swait.ge @!p4 [sflag:s2], $0x4000  }
0x171: {  	[sflag:s2] =	ssyncset.done @!p4 $0x0  }
0x172: {  	s1 =	simm.s32 @!p4 $0x80;
	[sflag:s2] =	ssyncadd.s32 @!p4 $0xFFFFC000;
	s2 =	simm.s32 @!p4 $0x280  }
0x173: {  	[tilespmem:s12], [sflag:$0x12] =	stream.indirect.gather.add.f32 @!p4 [spmem:s13], $0x80, s2, s1, $0xb8;
	[tilespmem:$0x18A80] =	vst v63  }
0x174: {  	s1 =	simm.s32 @!p2 $0x11  }
0x175: {  	_ =	swait.ge @!p2 [sflag:s1], $0x4000  }
0x176: {  	s2 =	sadd.s32 @!p2 s3, s14;
	[sflag:s1] =	ssyncset.done @!p2 $0x0  }
0x177: {  	[sflag:s1] =	ssyncadd.s32 @!p2 $0xFFFFC000;
	s1 =	sadd.s32 @!p2 $0x40000, s2  }
0x178: {  	[hbm4b:s1+s10] =	stream.linear.scatter @!p2 [tilespmem:s9], [sflag:$0x17], $0x4000, $0x38;
	[tilespmem:$0x18A80] =	vst v63  }
0x179: {  	s1 =	simm.s32 @!p3 $0x14  }
0x17a: {  	_ =	swait.ge @!p3 [sflag:s1], $0x4000  }
0x17b: {  	p1 =	sgt.u32 s30, $0x9C3;
	s2 =	sadd.s32 @!p3 s3, s15;
	[sflag:s1] =	ssyncset.done @!p3 $0x0  }
0x17c: {  	s2 =	sadd.s32 @!p3 $0x70000, s2;
	[sflag:s1] =	ssyncadd.s32 @!p3 $0xFFFFC000;
	s1 =	simm.s32 @!p3 $0x4300  }
0x17d: {  	[tilespmem:s1], [sflag:$0x8] =	stream.linear.gather @!p3 [hbm4b:s2+s5], $0x4000, $0x38;
	[tilespmem:$0x18A80] =	vst v63  }
0x17e: {  	s4 =	simm.s32 @!p1 $0x0;
	s1 =	sadd.s32 @!p1 $0xFFFFFE00, s24;
	s2 =	simm.s32 @!p1 $0x200  }
0x17f: {  	[tilespmem:s2], [sflag:$0x5] =	stream.linear.gather @!p1 [hbm4b:s1+s4], $0x80, $0x38;
	[tilespmem:$0x18A80] =	vst v63  }
0x180: {  	s1 =	simm.s32 @!p0 $0x1  }
0x181: {  	_ =	swait.ge @!p0 [sflag:s1], $0x80  }
0x182: {  	[sflag:s1] =	ssyncset.done @!p0 $0x0  }
0x183: {  	[sflag:s1] =	ssyncadd.s32 @!p0 $0xFFFFFF80;
	s1 =	simm.s32 @!p0 $0x7  }
0x184: {  	_ =	swait.ge @!p0 [sflag:s1], $0x4000  }
0x185: {  	[sflag:s1] =	ssyncset.done @!p0 $0x0  }
0x186: {  	[sflag:s1] =	ssyncadd.s32 @!p0 $0xFFFFC000;
	s1 =	simm.s32 @!p0 $0x80  }
0x187: {  	[tilespmem:s6], [sflag:$0xD] =	stream.indirect.gather.add.f32 @!p0 [spmem:s13], $0x80, s0, s1, $0xb8;
	[tilespmem:$0x18A80] =	vst v63  }
0x188: {  	s0 =	simm.s32 @!p4 $0x12  }
0x189: {  	_ =	swait.ge @!p4 [sflag:s0], $0x4000  }
0x18a: {  	s1 =	sadd.s32 @!p4 s3, s14;
	[sflag:s0] =	ssyncset.done @!p4 $0x0  }
0x18b: {  	[sflag:s0] =	ssyncadd.s32 @!p4 $0xFFFFC000;
	s0 =	sadd.s32 @!p4 $0x50000, s1  }
0x18c: {  	[hbm4b:s0+s11] =	stream.linear.scatter @!p4 [tilespmem:s12], [sflag:$0x18], $0x4000, $0x38;
	[tilespmem:$0x18A80] =	vst v63  }
0x18d: {  	s0 =	simm.s32 @!p5 $0x15  }
0x18e: {  	_ =	swait.ge @!p5 [sflag:s0], $0x4000  }
0x18f: {  	p0 =	sgt.u32 s17, $0x9C3;
	s1 =	sadd.s32 @!p5 s3, s15;
	[sflag:s0] =	ssyncset.done @!p5 $0x0  }
0x190: {  	s1 =	sadd.s32 @!p5 $0x80000, s1;
	[sflag:s0] =	ssyncadd.s32 @!p5 $0xFFFFC000;
	s0 =	simm.s32 @!p5 $0x8300  }
0x191: {  	[tilespmem:s0], [sflag:$0x9] =	stream.linear.gather @!p5 [hbm4b:s1+s8], $0x4000, $0x38;
	[tilespmem:$0x18A80] =	vst v63  }
0x192: {  	s23 =	simm.s32 $0x13;
	s0 =	simm.s32 @!p0 $0x0;
	s1 =	simm.s32 @!p0 $0x280  }
0x193: {  	[tilespmem:s1], [sflag:$0x6] =	stream.linear.gather @!p0 [hbm4b:s24+s0], $0x80, $0x38;
	[tilespmem:$0x18A80] =	vst v63  }
0x194: {  	_ =	swait.ge [sflag:s23], $0x4000  }
0x195: {  	[sflag:s23] =	ssyncset.done $0x0  }
0x196: {  	s24 =	simm.s32 $0x14;
	[sflag:s23] =	ssyncadd.s32 $0xFFFFC000  }
0x197: {  	_ =	swait.ge [sflag:s24], $0x4000  }
0x198: {  	[sflag:s24] =	ssyncset.done $0x0  }
0x199: {  	s25 =	simm.s32 $0x15;
	[sflag:s24] =	ssyncadd.s32 $0xFFFFC000  }
0x19a: {  	_ =	swait.ge [sflag:s25], $0x4000  }
0x19b: {  	[sflag:s25] =	ssyncset.done $0x0  }
0x19c: {  	s26 =	simm.s32 $0x16;
	[sflag:s25] =	ssyncadd.s32 $0xFFFFC000  }
0x19d: {  	_ =	swait.ge [sflag:s26], $0x4000  }
0x19e: {  	[sflag:s26] =	ssyncset.done $0x0  }
0x19f: {  	s28 =	simm.s32 $0x17;
	[sflag:s26] =	ssyncadd.s32 $0xFFFFC000  }
0x1a0: {  	_ =	swait.ge [sflag:s28], $0x4000  }
0x1a1: {  	[sflag:s28] =	ssyncset.done $0x0  }
0x1a2: {  	s29 =	simm.s32 $0x18;
	[sflag:s28] =	ssyncadd.s32 $0xFFFFC000  }
0x1a3: {  	_ =	swait.ge [sflag:s29], $0x4000  }
0x1a4: {  	s30 =	rddreg [dreg:$0x16]  }
0x1a5: {  	s31 =	rddreg [dreg:$0x14];
	s2 =	sadd.s32 $0x1, s30  }
0x1a6: {  	p0 =	sne.s32 s2, s31  }
.Ltmp1:
0x1a7: {  	_ = 	snop;
	(pc) =	sbr.rel @p0 .LBB2_1-.Ltmp1, $3  }
0x1a8: {  	_ =	sdelay $0x1  }
0x1a9: {  	[sflag:s29] =	ssyncset.done $0x0  }
0x1aa: {  	[sflag:s29] =	ssyncadd.s32 $0xFFFFC000  }
0x1ab: {  	_ =	sfence.sel $0x180000  }
0x1ac: {  	[bflag:$0x0] =	sbarrier.arrive $0xFFFF  }
0x1ad: {  	_ =	strace $0x90000047  }
0x1ae: {  	[bflag:$0x2] =	sbarrier.arrive $0xFFFF  }
0x1af: {  	s1 =	sld [smem:$0x7FD];
	_ =	sdelay $0x2  }
0x1b0: {  	s0 =	rddreg [dreg:$0x5];
	p0 =	seq.s32 s1, $0x1  }
0x1b1: {  	s0 =	sadd.s32 @!p0 $0x100000, s0  }
0x1b2: {  	[sflag:s0] =	ssyncadd.tile.s32 @!p0 $0x1;
	_ =	shalt  }
.Lfunc_end2:
_tile_overlayer_lowered:
.L_overlay_start_2:
0x1b3: {  	(tag) =	ssettag $0x2  }
0x1b4: {  	s0 =	rddreg [dreg:$0x0];
	s2 =	stileid.u32  }
0x1b5: {  	s1 =	rddreg [dreg:$0x1];
	p0 =	sne.s32 s2, $0x0  }
0x1b6: {  	s3 =	rddreg [dreg:$0x2];
	[bflag:$0x3] =	sbarrier.arrive $0xFFFF;
	s2 =	simm.s32 @!p0 $0x1C19  }
0x1b7: {  	[timem:s3], [sflag:s2] =	dma.local @!p0 [hbm:s0], s1  }
0x1b8: {  	s0 =	simm.s32 @!p0 $0x19  }
0x1b9: {  	_ =	swait.ge @!p0 [sflag:s0], s1  }
0x1ba: {  	s1 =	ssub.s32 @!p0 $0x0, s1;
	[sflag:s0] =	ssyncset.done @!p0 $0x0  }
0x1bb: {  	[sflag:s0] =	ssyncadd.s32 @!p0 s1  }
0x1bc: {  	[bflag:$0x3] =	sbarrier.arrive $0xFFFF  }
0x1bd: {  	_ =	shalt  }

</sc_bundles>
